<compile_context>
chip_gen: v7x
topology: tpu7x:2x2x1
jax: 0.10.2.dev20260603
libtpu: 0.0.44.dev20260713+nightly
codegen_flags: <defaults>
</compile_context>

<pallas_src>
import functools
import jax
import jax.numpy as jnp
from jax import lax
from jax.experimental import pallas as pl
from jax.experimental.pallas import tpu as pltpu
from jax.experimental.pallas import tpu_sc as plsc

_D = 4096
_E = 64
_K = 8
_BT = 1024

_NC = 2
_NS = 16
_NW = _NC * _NS
_NSLICE = 4
_TPW = (32768 // _NSLICE) // _NW
_C = 256
_NCH = _TPW // _C


def _logits_body(x_ref, w_ref, out_ref):
    out_ref[...] = jnp.dot(x_ref[...], w_ref[...],
                           preferred_element_type=jnp.float32)


def _tc_logits(x, w):
    t = x.shape[0]
    return pl.pallas_call(
        _logits_body,
        grid=(t // _BT,),
        in_specs=[
            pl.BlockSpec((_BT, _D), lambda i: (i, 0)),
            pl.BlockSpec((_D, _E), lambda i: (0, 0)),
        ],
        out_specs=pl.BlockSpec((_BT, _E), lambda i: (i, 0)),
        out_shape=jax.ShapeDtypeStruct((t, _E), jnp.float32),
    )(x, w)


def _merge(a, b):
    av, ai = a
    bv, bi = b
    l8 = lax.iota(jnp.int32, 16) < 8
    mv = jnp.where(l8, av, lax.rev(bv, (0,)))
    mi = jnp.where(l8, ai, lax.rev(bi, (0,)))
    return plsc.sort_key_val(mv, mi, descending=True)


def _sc_router_body(logits_hbm, gates_hbm, idx_hbm, logits_v, dense_v, idx_v):
    wid = lax.axis_index("s") * _NC + lax.axis_index("c")
    iota16 = lax.iota(jnp.int32, 16)
    l8 = iota16 < 8

    for ch in range(_NCH):
        base = wid * _TPW + ch * _C
        pltpu.sync_copy(logits_hbm.at[pl.ds(base, _C), :], logits_v)

        def token_step(tloc, carry):
            parts = []
            for c in range(4):
                kv = logits_v[tloc, pl.ds(16 * c, 16)]
                parts.append(
                    plsc.sort_key_val(kv, iota16 + 16 * c, descending=True))
            sf_v, sf_i = _merge(_merge(parts[0], parts[1]),
                                _merge(parts[2], parts[3]))
            m = jnp.max(sf_v)
            e = jnp.exp(sf_v - m)
            z = jnp.sum(jnp.where(l8, e, 0.0))
            g = e / z
            row = jnp.full((16,), tloc, jnp.int32)
            for c in range(4):
                dense_v[tloc, pl.ds(16 * c, 16)] = jnp.zeros((16,), jnp.float32)
            plsc.store_scatter(dense_v, [row, sf_i], g, mask=l8)
            plsc.store_scatter(idx_v, [row, iota16], sf_i, mask=l8)
            return carry

        lax.fori_loop(0, _C, token_step, 0)

        pltpu.sync_copy(dense_v, gates_hbm.at[pl.ds(base, _C), :])
        pltpu.sync_copy(idx_v, idx_hbm.at[pl.ds(base, _C), :])


@jax.jit
def kernel(x, W_gate):
    t = x.shape[0]
    ts = t // _NSLICE
    sc_router = pl.kernel(
        _sc_router_body,
        out_type=[
            jax.ShapeDtypeStruct((ts, _E), jnp.float32),
            jax.ShapeDtypeStruct((ts, _K), jnp.int32),
        ],
        mesh=plsc.VectorSubcoreMesh(core_axis_name="c", subcore_axis_name="s"),
        scratch_types=[
            pltpu.VMEM((_C, _E), jnp.float32),
            pltpu.VMEM((_C, _E), jnp.float32),
            pltpu.VMEM((_C, _K), jnp.int32),
        ],
        compiler_params=pltpu.CompilerParams(needs_layout_passes=False),
    )
    parts = []
    for i in range(_NSLICE):
        logits_i = _tc_logits(lax.slice_in_dim(x, i * ts, (i + 1) * ts), W_gate)
        parts.append(sc_router(logits_i))
    gates = jnp.concatenate([p[0] for p in parts], axis=0)
    idx = jnp.concatenate([p[1] for p in parts], axis=0)
    return gates, idx

# --- scband reference (transcript-rebuilt; emitter-appended) ---
"""Pipeline reference for scband-router-13288628814473 (READ-ONLY COPY).

The authoritative reference and input builder live on the scoring server;
editing this copy changes nothing except your own understanding.
"""

import jax, jax.numpy as jnp
import numpy as np

D_MODEL = 4096
NUM_EXPERTS = 64
TOP_K = 8
NUM_TOKENS = 32768


def setup_inputs(seed: int = 0) -> dict:
    key = jax.random.key(seed)
    k1, k2 = jax.random.split(key)
    x = jax.random.normal(k1, (NUM_TOKENS, D_MODEL), dtype=jnp.float32)
    W_gate = jax.random.normal(k2, (D_MODEL, NUM_EXPERTS), dtype=jnp.float32) * 0.02
    return {"x": x, "W_gate": W_gate}


def reference(x, W_gate):
    # Router: gate logits -> softmax -> top-k -> renormalize -> dense combine weights
    logits = x @ W_gate                                  # [T, E]
    probs = jax.nn.softmax(logits, axis=-1)              # [T, E]
    topk_vals, topk_idx = jax.lax.top_k(probs, TOP_K)    # [T, K], [T, K]
    gates = topk_vals / jnp.sum(topk_vals, axis=-1, keepdims=True)  # renormalized top-k gates
    row_idx = jnp.arange(probs.shape[0])[:, None]        # [T, 1]
    dense_gates = jnp.zeros_like(probs).at[row_idx, topk_idx].set(gates)  # [T, E] sparse combine weights
    return dense_gates, topk_idx

if __name__ == "__main__":
    import jax
    _d = setup_inputs()
    print(jax.jit(kernel)(*tuple(_d.values())))

</pallas_src>

<mosaic_0001>
#map = affine_map<(d0, d1) -> (0, 0)>
module attributes {stable_mosaic.version = 14 : i64} {
  func.func @_sc_router_body(%arg0: i32, %arg1: i32, %arg2: memref<8192x64xf32, #tpu.memory_space<hbm>>, %arg3: memref<8192x64xf32, #tpu.memory_space<hbm>>, %arg4: memref<8192x8xi32, #tpu.memory_space<hbm>>, %arg5: memref<256x64xf32, #tpu.memory_space<vmem>>, %arg6: memref<256x64xf32, #tpu.memory_space<vmem>>, %arg7: memref<256x8xi32, #tpu.memory_space<vmem>>) attributes {dimension_semantics = [#tpu.dimension_semantics<core_parallel>, #tpu.dimension_semantics<subcore_parallel>], iteration_bounds = array<i64: 2, 16>, scalar_prefetch = 0 : i64, scratch_operands = 3 : i64, tpu.core_type = #tpu.core_type<sc_vector_subcore>, window_params = [{transform_indices = #map}, {transform_indices = #map}, {transform_indices = #map}]} {
    %mul3A = arith.constant 2 : i32
    %mul3A_0 = arith.muli %arg1, %mul3A : i32
    %add3A = arith.addi %mul3A_0, %arg0 : i32
    %iota3A = tpu.iota {dimensions = array<i32: 0>} : vector<16xi32>
    %lt3A = arith.constant 8 : i32
    %lt3A_1 = vector.broadcast %lt3A : i32 to vector<16xi32>
    %lt3A_2 = arith.cmpi slt, %iota3A, %lt3A_1 : vector<16xi32>
    %mul3A_3 = arith.constant 256 : i32
    %mul3A_4 = arith.muli %add3A, %mul3A_3 : i32
    %add3A_5 = arith.constant 0 : i32
    %add3A_6 = arith.addi %mul3A_4, %add3A_5 : i32
    "tpu.region"() ({
      %run_scoped3A = tpu.sem_alloc : memref<!tpu.dma_semaphore, #tpu.memory_space<semaphore_mem>>
      %dma_start3A = arith.constant 0 : i32
      %dma_start3A_12 = tpu.memref_slice %arg2[%add3A_6, %dma_start3A] : memref<8192x64xf32, #tpu.memory_space<hbm>> -> memref<256x64xf32, #tpu.memory_space<hbm>>
      %dma_start3A_13 = arith.constant 0 : i32
      %dma_start3A_14 = tpu.memref_slice %arg2[%add3A_6, %dma_start3A_13] : memref<8192x64xf32, #tpu.memory_space<hbm>> -> memref<256x64xf32, #tpu.memory_space<hbm>>
      tpu.enqueue_dma source(%dma_start3A_14 : memref<256x64xf32, #tpu.memory_space<hbm>>) target(%arg5 : memref<256x64xf32, #tpu.memory_space<vmem>>) target_semaphore(%run_scoped3A : memref<!tpu.dma_semaphore, #tpu.memory_space<semaphore_mem>>)
      %dma_wait3A = arith.constant 0 : i32
      %dma_wait3A_15 = tpu.memref_slice %arg2[%add3A_6, %dma_wait3A] : memref<8192x64xf32, #tpu.memory_space<hbm>> -> memref<256x64xf32, #tpu.memory_space<hbm>>
      %dma_wait3A_16 = arith.constant 0 : i32
      %dma_wait3A_17 = tpu.memref_slice %arg2[%add3A_6, %dma_wait3A_16] : memref<8192x64xf32, #tpu.memory_space<hbm>> -> memref<256x64xf32, #tpu.memory_space<hbm>>
      tpu.wait_dma2 semaphore(%run_scoped3A : memref<!tpu.dma_semaphore, #tpu.memory_space<semaphore_mem>>) src(%dma_wait3A_17 : memref<256x64xf32, #tpu.memory_space<hbm>>) dst(%arg5 : memref<256x64xf32, #tpu.memory_space<vmem>>)
      tpu.yield
    }) : () -> ()
    %scan3A = arith.constant 0 : i32
    %scan3A_7 = arith.constant 0 : i32
    %scan3A_8 = arith.constant 256 : i32
    %scan3A_9 = arith.addi %scan3A_7, %scan3A_8 : i32
    %scan3A_10 = arith.constant 1 : i32
    scf.for %scan3A_12 = %scan3A_7 to %scan3A_9 step %scan3A_10  : i32 {
      %get3A = arith.index_cast %scan3A_12 : i32 to index
      %get3A_13 = arith.constant 0 : index
      %get3A_14 = tpu.vector_load %arg5[%get3A, %get3A_13] {strides = array<i32>} : memref<256x64xf32, #tpu.memory_space<vmem>>, vector<16xf32>,
      %add3A_15 = arith.constant 0 : i32
      %add3A_16 = vector.broadcast %add3A_15 : i32 to vector<16xi32>
      %add3A_17 = arith.addi %iota3A, %add3A_16 : vector<16xi32>
      %masked_sort3A = arith.constant dense<true> : vector<16xi1>
      %masked_sort3A_18, %masked_sort3A_19, %masked_sort3A_20 = tpu.sort %get3A_14, %add3A_17 masked %masked_sort3A {descending = true} : (vector<16xf32>, vector<16xi32>, vector<16xi1>) -> (vector<16xi1>, vector<16xf32>, vector<16xi32>)
      %get3A_21 = arith.index_cast %scan3A_12 : i32 to index
      %get3A_22 = arith.constant 16 : index
      %get3A_23 = tpu.vector_load %arg5[%get3A_21, %get3A_22] {strides = array<i32>} : memref<256x64xf32, #tpu.memory_space<vmem>>, vector<16xf32>,
      %add3A_24 = arith.constant 16 : i32
      %add3A_25 = vector.broadcast %add3A_24 : i32 to vector<16xi32>
      %add3A_26 = arith.addi %iota3A, %add3A_25 : vector<16xi32>
      %masked_sort3A_27 = arith.constant dense<true> : vector<16xi1>
      %masked_sort3A_28, %masked_sort3A_29, %masked_sort3A_30 = tpu.sort %get3A_23, %add3A_26 masked %masked_sort3A_27 {descending = true} : (vector<16xf32>, vector<16xi32>, vector<16xi1>) -> (vector<16xi1>, vector<16xf32>, vector<16xi32>)
      %get3A_31 = arith.index_cast %scan3A_12 : i32 to index
      %get3A_32 = arith.constant 32 : index
      %get3A_33 = tpu.vector_load %arg5[%get3A_31, %get3A_32] {strides = array<i32>} : memref<256x64xf32, #tpu.memory_space<vmem>>, vector<16xf32>,
      %add3A_34 = arith.constant 32 : i32
      %add3A_35 = vector.broadcast %add3A_34 : i32 to vector<16xi32>
      %add3A_36 = arith.addi %iota3A, %add3A_35 : vector<16xi32>
      %masked_sort3A_37 = arith.constant dense<true> : vector<16xi1>
      %masked_sort3A_38, %masked_sort3A_39, %masked_sort3A_40 = tpu.sort %get3A_33, %add3A_36 masked %masked_sort3A_37 {descending = true} : (vector<16xf32>, vector<16xi32>, vector<16xi1>) -> (vector<16xi1>, vector<16xf32>, vector<16xi32>)
      %get3A_41 = arith.index_cast %scan3A_12 : i32 to index
      %get3A_42 = arith.constant 48 : index
      %get3A_43 = tpu.vector_load %arg5[%get3A_41, %get3A_42] {strides = array<i32>} : memref<256x64xf32, #tpu.memory_space<vmem>>, vector<16xf32>,
      %add3A_44 = arith.constant 48 : i32
      %add3A_45 = vector.broadcast %add3A_44 : i32 to vector<16xi32>
      %add3A_46 = arith.addi %iota3A, %add3A_45 : vector<16xi32>
      %masked_sort3A_47 = arith.constant dense<true> : vector<16xi1>
      %masked_sort3A_48, %masked_sort3A_49, %masked_sort3A_50 = tpu.sort %get3A_43, %add3A_46 masked %masked_sort3A_47 {descending = true} : (vector<16xf32>, vector<16xi32>, vector<16xi1>) -> (vector<16xi1>, vector<16xf32>, vector<16xi32>)
      %iota3A_51 = tpu.iota {dimensions = array<i32: 0>} : vector<16xi32>
      %lt3A_52 = arith.constant 8 : i32
      %lt3A_53 = vector.broadcast %lt3A_52 : i32 to vector<16xi32>
      %lt3A_54 = arith.cmpi slt, %iota3A_51, %lt3A_53 : vector<16xi32>
      %rev3A = arith.constant 15 : i32
      %rev3A_55 = vector.broadcast %rev3A : i32 to vector<16xi32>
      %rev3A_56 = tpu.iota {dimensions = array<i32: 0>} : vector<16xi32>
      %rev3A_57 = arith.subi %rev3A_55, %rev3A_56 : vector<16xi32>
      %rev3A_58 = tpu.dynamic_gather %masked_sort3A_29[%rev3A_57] in [0] : vector<16xf32>, vector<16xi32> -> vector<16xf32>
      %select_n3A = arith.select %lt3A_54, %masked_sort3A_19, %rev3A_58 : vector<16xi1>, vector<16xf32>
      %rev3A_59 = arith.constant 15 : i32
      %rev3A_60 = vector.broadcast %rev3A_59 : i32 to vector<16xi32>
      %rev3A_61 = tpu.iota {dimensions = array<i32: 0>} : vector<16xi32>
      %rev3A_62 = arith.subi %rev3A_60, %rev3A_61 : vector<16xi32>
      %rev3A_63 = tpu.dynamic_gather %masked_sort3A_30[%rev3A_62] in [0] : vector<16xi32>, vector<16xi32> -> vector<16xi32>
      %select_n3A_64 = arith.select %lt3A_54, %masked_sort3A_20, %rev3A_63 : vector<16xi1>, vector<16xi32>
      %masked_sort3A_65 = arith.constant dense<true> : vector<16xi1>
      %masked_sort3A_66, %masked_sort3A_67, %masked_sort3A_68 = tpu.sort %select_n3A, %select_n3A_64 masked %masked_sort3A_65 {descending = true} : (vector<16xf32>, vector<16xi32>, vector<16xi1>) -> (vector<16xi1>, vector<16xf32>, vector<16xi32>)
      %iota3A_69 = tpu.iota {dimensions = array<i32: 0>} : vector<16xi32>
      %lt3A_70 = arith.constant 8 : i32
      %lt3A_71 = vector.broadcast %lt3A_70 : i32 to vector<16xi32>
      %lt3A_72 = arith.cmpi slt, %iota3A_69, %lt3A_71 : vector<16xi32>
      %rev3A_73 = arith.constant 15 : i32
      %rev3A_74 = vector.broadcast %rev3A_73 : i32 to vector<16xi32>
      %rev3A_75 = tpu.iota {dimensions = array<i32: 0>} : vector<16xi32>
      %rev3A_76 = arith.subi %rev3A_74, %rev3A_75 : vector<16xi32>
      %rev3A_77 = tpu.dynamic_gather %masked_sort3A_49[%rev3A_76] in [0] : vector<16xf32>, vector<16xi32> -> vector<16xf32>
      %select_n3A_78 = arith.select %lt3A_72, %masked_sort3A_39, %rev3A_77 : vector<16xi1>, vector<16xf32>
      %rev3A_79 = arith.constant 15 : i32
      %rev3A_80 = vector.broadcast %rev3A_79 : i32 to vector<16xi32>
      %rev3A_81 = tpu.iota {dimensions = array<i32: 0>} : vector<16xi32>
      %rev3A_82 = arith.subi %rev3A_80, %rev3A_81 : vector<16xi32>
      %rev3A_83 = tpu.dynamic_gather %masked_sort3A_50[%rev3A_82] in [0] : vector<16xi32>, vector<16xi32> -> vector<16xi32>
      %select_n3A_84 = arith.select %lt3A_72, %masked_sort3A_40, %rev3A_83 : vector<16xi1>, vector<16xi32>
      %masked_sort3A_85 = arith.constant dense<true> : vector<16xi1>
      %masked_sort3A_86, %masked_sort3A_87, %masked_sort3A_88 = tpu.sort %select_n3A_78, %select_n3A_84 masked %masked_sort3A_85 {descending = true} : (vector<16xf32>, vector<16xi32>, vector<16xi1>) -> (vector<16xi1>, vector<16xf32>, vector<16xi32>)
      %iota3A_89 = tpu.iota {dimensions = array<i32: 0>} : vector<16xi32>
      %lt3A_90 = arith.constant 8 : i32
      %lt3A_91 = vector.broadcast %lt3A_90 : i32 to vector<16xi32>
      %lt3A_92 = arith.cmpi slt, %iota3A_89, %lt3A_91 : vector<16xi32>
      %rev3A_93 = arith.constant 15 : i32
      %rev3A_94 = vector.broadcast %rev3A_93 : i32 to vector<16xi32>
      %rev3A_95 = tpu.iota {dimensions = array<i32: 0>} : vector<16xi32>
      %rev3A_96 = arith.subi %rev3A_94, %rev3A_95 : vector<16xi32>
      %rev3A_97 = tpu.dynamic_gather %masked_sort3A_87[%rev3A_96] in [0] : vector<16xf32>, vector<16xi32> -> vector<16xf32>
      %select_n3A_98 = arith.select %lt3A_92, %masked_sort3A_67, %rev3A_97 : vector<16xi1>, vector<16xf32>
      %rev3A_99 = arith.constant 15 : i32
      %rev3A_100 = vector.broadcast %rev3A_99 : i32 to vector<16xi32>
      %rev3A_101 = tpu.iota {dimensions = array<i32: 0>} : vector<16xi32>
      %rev3A_102 = arith.subi %rev3A_100, %rev3A_101 : vector<16xi32>
      %rev3A_103 = tpu.dynamic_gather %masked_sort3A_88[%rev3A_102] in [0] : vector<16xi32>, vector<16xi32> -> vector<16xi32>
      %select_n3A_104 = arith.select %lt3A_92, %masked_sort3A_68, %rev3A_103 : vector<16xi1>, vector<16xi32>
      %masked_sort3A_105 = arith.constant dense<true> : vector<16xi1>
      %masked_sort3A_106, %masked_sort3A_107, %masked_sort3A_108 = tpu.sort %select_n3A_98, %select_n3A_104 masked %masked_sort3A_105 {descending = true} : (vector<16xf32>, vector<16xi32>, vector<16xi1>) -> (vector<16xi1>, vector<16xf32>, vector<16xi32>)
      %reduce_max3A = arith.constant true
      %reduce_max3A_109 = vector.broadcast %reduce_max3A : i1 to vector<16xi1>
      %reduce_max3A_110 = tpu.scan <max>, %masked_sort3A_107 masked %reduce_max3A_109 : vector<16xf32>, vector<16xi1> -> vector<16xf32>
      %reduce_max3A_111 = vector.extract %reduce_max3A_110[15] : f32 from vector<16xf32>
      %sub3A = vector.broadcast %reduce_max3A_111 : f32 to vector<16xf32>
      %sub3A_112 = arith.subf %masked_sort3A_107, %sub3A : vector<16xf32>
      %exp3A = math.exp %sub3A_112 : vector<16xf32>
      %jit3A = arith.constant 0.000000e+00 : f32
      %broadcast_in_dim3A = vector.broadcast %jit3A : f32 to vector<16xf32>
      %select_n3A_113 = arith.select %lt3A_2, %exp3A, %broadcast_in_dim3A : vector<16xi1>, vector<16xf32>
      %reduce_sum3A = arith.constant true
      %reduce_sum3A_114 = vector.broadcast %reduce_sum3A : i1 to vector<16xi1>
      %reduce_sum3A_115 = tpu.scan <sum>, %select_n3A_113 masked %reduce_sum3A_114 : vector<16xf32>, vector<16xi1> -> vector<16xf32>
      %reduce_sum3A_116 = vector.extract %reduce_sum3A_115[15] : f32 from vector<16xf32>
      %div3A = vector.broadcast %reduce_sum3A_116 : f32 to vector<16xf32>
      %div3A_117 = arith.divf %exp3A, %div3A : vector<16xf32>
      %broadcast_in_dim3A_118 = vector.broadcast %scan3A_12 : i32 to vector<16xi32>
      %broadcast_in_dim3A_119 = arith.constant 0.000000e+00 : f32
      %broadcast_in_dim3A_120 = vector.broadcast %broadcast_in_dim3A_119 : f32 to vector<16xf32>
      %swap3A = arith.index_cast %scan3A_12 : i32 to index
      %swap3A_121 = arith.constant 0 : index
      %swap3A_122 = tpu.vector_load %arg6[%swap3A, %swap3A_121] {strides = array<i32>} : memref<256x64xf32, #tpu.memory_space<vmem>>, vector<16xf32>,
      tpu.vector_store %arg6[%swap3A, %swap3A_121], %broadcast_in_dim3A_120 {strides = array<i32>} : memref<256x64xf32, #tpu.memory_space<vmem>>, vector<16xf32>,
      %broadcast_in_dim3A_123 = arith.constant 0.000000e+00 : f32
      %broadcast_in_dim3A_124 = vector.broadcast %broadcast_in_dim3A_123 : f32 to vector<16xf32>
      %swap3A_125 = arith.index_cast %scan3A_12 : i32 to index
      %swap3A_126 = arith.constant 16 : index
      %swap3A_127 = tpu.vector_load %arg6[%swap3A_125, %swap3A_126] {strides = array<i32>} : memref<256x64xf32, #tpu.memory_space<vmem>>, vector<16xf32>,
      tpu.vector_store %arg6[%swap3A_125, %swap3A_126], %broadcast_in_dim3A_124 {strides = array<i32>} : memref<256x64xf32, #tpu.memory_space<vmem>>, vector<16xf32>,
      %broadcast_in_dim3A_128 = arith.constant 0.000000e+00 : f32
      %broadcast_in_dim3A_129 = vector.broadcast %broadcast_in_dim3A_128 : f32 to vector<16xf32>
      %swap3A_130 = arith.index_cast %scan3A_12 : i32 to index
      %swap3A_131 = arith.constant 32 : index
      %swap3A_132 = tpu.vector_load %arg6[%swap3A_130, %swap3A_131] {strides = array<i32>} : memref<256x64xf32, #tpu.memory_space<vmem>>, vector<16xf32>,
      tpu.vector_store %arg6[%swap3A_130, %swap3A_131], %broadcast_in_dim3A_129 {strides = array<i32>} : memref<256x64xf32, #tpu.memory_space<vmem>>, vector<16xf32>,
      %broadcast_in_dim3A_133 = arith.constant 0.000000e+00 : f32
      %broadcast_in_dim3A_134 = vector.broadcast %broadcast_in_dim3A_133 : f32 to vector<16xf32>
      %swap3A_135 = arith.index_cast %scan3A_12 : i32 to index
      %swap3A_136 = arith.constant 48 : index
      %swap3A_137 = tpu.vector_load %arg6[%swap3A_135, %swap3A_136] {strides = array<i32>} : memref<256x64xf32, #tpu.memory_space<vmem>>, vector<16xf32>,
      tpu.vector_store %arg6[%swap3A_135, %swap3A_136], %broadcast_in_dim3A_134 {strides = array<i32>} : memref<256x64xf32, #tpu.memory_space<vmem>>, vector<16xf32>,
      tpu.vector_store_idx %arg6[%broadcast_in_dim3A_118, %masked_sort3A_108], %div3A_117 masked %lt3A_2 : memref<256x64xf32, #tpu.memory_space<vmem>>[vector<16xi32>, vector<16xi32>], vector<16xf32>, vector<16xi1>
      tpu.vector_store_idx %arg7[%broadcast_in_dim3A_118, %iota3A], %masked_sort3A_108 masked %lt3A_2 : memref<256x8xi32, #tpu.memory_space<vmem>>[vector<16xi32>, vector<16xi32>], vector<16xi32>, vector<16xi1>
    }
    %scan3A_11 = arith.constant 256 : i32
    "tpu.region"() ({
      %run_scoped3A = tpu.sem_alloc : memref<!tpu.dma_semaphore, #tpu.memory_space<semaphore_mem>>
      %dma_start3A = arith.constant 0 : i32
      %dma_start3A_12 = tpu.memref_slice %arg3[%add3A_6, %dma_start3A] : memref<8192x64xf32, #tpu.memory_space<hbm>> -> memref<256x64xf32, #tpu.memory_space<hbm>>
      %dma_start3A_13 = arith.constant 0 : i32
      %dma_start3A_14 = tpu.memref_slice %arg3[%add3A_6, %dma_start3A_13] : memref<8192x64xf32, #tpu.memory_space<hbm>> -> memref<256x64xf32, #tpu.memory_space<hbm>>
      tpu.enqueue_dma source(%arg6 : memref<256x64xf32, #tpu.memory_space<vmem>>) target(%dma_start3A_14 : memref<256x64xf32, #tpu.memory_space<hbm>>) target_semaphore(%run_scoped3A : memref<!tpu.dma_semaphore, #tpu.memory_space<semaphore_mem>>)
      %dma_wait3A = arith.constant 0 : i32
      %dma_wait3A_15 = tpu.memref_slice %arg3[%add3A_6, %dma_wait3A] : memref<8192x64xf32, #tpu.memory_space<hbm>> -> memref<256x64xf32, #tpu.memory_space<hbm>>
      %dma_wait3A_16 = arith.constant 0 : i32
      %dma_wait3A_17 = tpu.memref_slice %arg3[%add3A_6, %dma_wait3A_16] : memref<8192x64xf32, #tpu.memory_space<hbm>> -> memref<256x64xf32, #tpu.memory_space<hbm>>
      tpu.wait_dma2 semaphore(%run_scoped3A : memref<!tpu.dma_semaphore, #tpu.memory_space<semaphore_mem>>) src(%arg6 : memref<256x64xf32, #tpu.memory_space<vmem>>) dst(%dma_wait3A_17 : memref<256x64xf32, #tpu.memory_space<hbm>>)
      tpu.yield
    }) : () -> ()
    "tpu.region"() ({
      %run_scoped3A = tpu.sem_alloc : memref<!tpu.dma_semaphore, #tpu.memory_space<semaphore_mem>>
      %dma_start3A = arith.constant 0 : i32
      %dma_start3A_12 = tpu.memref_slice %arg4[%add3A_6, %dma_start3A] : memref<8192x8xi32, #tpu.memory_space<hbm>> -> memref<256x8xi32, #tpu.memory_space<hbm>>
      %dma_start3A_13 = arith.constant 0 : i32
      %dma_start3A_14 = tpu.memref_slice %arg4[%add3A_6, %dma_start3A_13] : memref<8192x8xi32, #tpu.memory_space<hbm>> -> memref<256x8xi32, #tpu.memory_space<hbm>>
      tpu.enqueue_dma source(%arg7 : memref<256x8xi32, #tpu.memory_space<vmem>>) target(%dma_start3A_14 : memref<256x8xi32, #tpu.memory_space<hbm>>) target_semaphore(%run_scoped3A : memref<!tpu.dma_semaphore, #tpu.memory_space<semaphore_mem>>)
      %dma_wait3A = arith.constant 0 : i32
      %dma_wait3A_15 = tpu.memref_slice %arg4[%add3A_6, %dma_wait3A] : memref<8192x8xi32, #tpu.memory_space<hbm>> -> memref<256x8xi32, #tpu.memory_space<hbm>>
      %dma_wait3A_16 = arith.constant 0 : i32
      %dma_wait3A_17 = tpu.memref_slice %arg4[%add3A_6, %dma_wait3A_16] : memref<8192x8xi32, #tpu.memory_space<hbm>> -> memref<256x8xi32, #tpu.memory_space<hbm>>
      tpu.wait_dma2 semaphore(%run_scoped3A : memref<!tpu.dma_semaphore, #tpu.memory_space<semaphore_mem>>) src(%arg7 : memref<256x8xi32, #tpu.memory_space<vmem>>) dst(%dma_wait3A_17 : memref<256x8xi32, #tpu.memory_space<hbm>>)
      tpu.yield
    }) : () -> ()
    return
  }
}

#map = affine_map<(d0, d1) -> (0, 0)>
module attributes {stable_mosaic.version = 14 : i64} {
  func.func @_sc_router_body(%arg0: i32, %arg1: i32, %arg2: memref<8192x64xf32, #tpu.memory_space<hbm>>, %arg3: memref<8192x64xf32, #tpu.memory_space<hbm>>, %arg4: memref<8192x8xi32, #tpu.memory_space<hbm>>, %arg5: memref<256x64xf32, #tpu.memory_space<vmem>>, %arg6: memref<256x64xf32, #tpu.memory_space<vmem>>, %arg7: memref<256x8xi32, #tpu.memory_space<vmem>>) attributes {dimension_semantics = [#tpu.dimension_semantics<core_parallel>, #tpu.dimension_semantics<subcore_parallel>], iteration_bounds = array<i64: 2, 16>, scalar_prefetch = 0 : i64, scratch_operands = 3 : i64, tpu.core_type = #tpu.core_type<sc_vector_subcore>, window_params = [{transform_indices = #map}, {transform_indices = #map}, {transform_indices = #map}]} {
    %mul3A = arith.constant 2 : i32
    %mul3A_0 = arith.muli %arg1, %mul3A : i32
    %add3A = arith.addi %mul3A_0, %arg0 : i32
    %iota3A = tpu.iota {dimensions = array<i32: 0>} : vector<16xi32>
    %lt3A = arith.constant 8 : i32
    %lt3A_1 = vector.broadcast %lt3A : i32 to vector<16xi32>
    %lt3A_2 = arith.cmpi slt, %iota3A, %lt3A_1 : vector<16xi32>
    %mul3A_3 = arith.constant 256 : i32
    %mul3A_4 = arith.muli %add3A, %mul3A_3 : i32
    %add3A_5 = arith.constant 0 : i32
    %add3A_6 = arith.addi %mul3A_4, %add3A_5 : i32
    "tpu.region"() ({
      %run_scoped3A = tpu.sem_alloc : memref<!tpu.dma_semaphore, #tpu.memory_space<semaphore_mem>>
      %dma_start3A = arith.constant 0 : i32
      %dma_start3A_12 = tpu.memref_slice %arg2[%add3A_6, %dma_start3A] : memref<8192x64xf32, #tpu.memory_space<hbm>> -> memref<256x64xf32, #tpu.memory_space<hbm>>
      %dma_start3A_13 = arith.constant 0 : i32
      %dma_start3A_14 = tpu.memref_slice %arg2[%add3A_6, %dma_start3A_13] : memref<8192x64xf32, #tpu.memory_space<hbm>> -> memref<256x64xf32, #tpu.memory_space<hbm>>
      tpu.enqueue_dma source(%dma_start3A_14 : memref<256x64xf32, #tpu.memory_space<hbm>>) target(%arg5 : memref<256x64xf32, #tpu.memory_space<vmem>>) target_semaphore(%run_scoped3A : memref<!tpu.dma_semaphore, #tpu.memory_space<semaphore_mem>>)
      %dma_wait3A = arith.constant 0 : i32
      %dma_wait3A_15 = tpu.memref_slice %arg2[%add3A_6, %dma_wait3A] : memref<8192x64xf32, #tpu.memory_space<hbm>> -> memref<256x64xf32, #tpu.memory_space<hbm>>
      %dma_wait3A_16 = arith.constant 0 : i32
      %dma_wait3A_17 = tpu.memref_slice %arg2[%add3A_6, %dma_wait3A_16] : memref<8192x64xf32, #tpu.memory_space<hbm>> -> memref<256x64xf32, #tpu.memory_space<hbm>>
      tpu.wait_dma2 semaphore(%run_scoped3A : memref<!tpu.dma_semaphore, #tpu.memory_space<semaphore_mem>>) src(%dma_wait3A_17 : memref<256x64xf32, #tpu.memory_space<hbm>>) dst(%arg5 : memref<256x64xf32, #tpu.memory_space<vmem>>)
      tpu.yield
    }) : () -> ()
    %scan3A = arith.constant 0 : i32
    %scan3A_7 = arith.constant 0 : i32
    %scan3A_8 = arith.constant 256 : i32
    %scan3A_9 = arith.addi %scan3A_7, %scan3A_8 : i32
    %scan3A_10 = arith.constant 1 : i32
    scf.for %scan3A_12 = %scan3A_7 to %scan3A_9 step %scan3A_10  : i32 {
      %get3A = arith.index_cast %scan3A_12 : i32 to index
      %get3A_13 = arith.constant 0 : index
      %get3A_14 = tpu.vector_load %arg5[%get3A, %get3A_13] {strides = array<i32>} : memref<256x64xf32, #tpu.memory_space<vmem>>, vector<16xf32>,
      %add3A_15 = arith.constant 0 : i32
      %add3A_16 = vector.broadcast %add3A_15 : i32 to vector<16xi32>
      %add3A_17 = arith.addi %iota3A, %add3A_16 : vector<16xi32>
      %masked_sort3A = arith.constant dense<true> : vector<16xi1>
      %masked_sort3A_18, %masked_sort3A_19, %masked_sort3A_20 = tpu.sort %get3A_14, %add3A_17 masked %masked_sort3A {descending = true} : (vector<16xf32>, vector<16xi32>, vector<16xi1>) -> (vector<16xi1>, vector<16xf32>, vector<16xi32>)
      %get3A_21 = arith.index_cast %scan3A_12 : i32 to index
      %get3A_22 = arith.constant 16 : index
      %get3A_23 = tpu.vector_load %arg5[%get3A_21, %get3A_22] {strides = array<i32>} : memref<256x64xf32, #tpu.memory_space<vmem>>, vector<16xf32>,
      %add3A_24 = arith.constant 16 : i32
      %add3A_25 = vector.broadcast %add3A_24 : i32 to vector<16xi32>
      %add3A_26 = arith.addi %iota3A, %add3A_25 : vector<16xi32>
      %masked_sort3A_27 = arith.constant dense<true> : vector<16xi1>
      %masked_sort3A_28, %masked_sort3A_29, %masked_sort3A_30 = tpu.sort %get3A_23, %add3A_26 masked %masked_sort3A_27 {descending = true} : (vector<16xf32>, vector<16xi32>, vector<16xi1>) -> (vector<16xi1>, vector<16xf32>, vector<16xi32>)
      %get3A_31 = arith.index_cast %scan3A_12 : i32 to index
      %get3A_32 = arith.constant 32 : index
      %get3A_33 = tpu.vector_load %arg5[%get3A_31, %get3A_32] {strides = array<i32>} : memref<256x64xf32, #tpu.memory_space<vmem>>, vector<16xf32>,
      %add3A_34 = arith.constant 32 : i32
      %add3A_35 = vector.broadcast %add3A_34 : i32 to vector<16xi32>
      %add3A_36 = arith.addi %iota3A, %add3A_35 : vector<16xi32>
      %masked_sort3A_37 = arith.constant dense<true> : vector<16xi1>
      %masked_sort3A_38, %masked_sort3A_39, %masked_sort3A_40 = tpu.sort %get3A_33, %add3A_36 masked %masked_sort3A_37 {descending = true} : (vector<16xf32>, vector<16xi32>, vector<16xi1>) -> (vector<16xi1>, vector<16xf32>, vector<16xi32>)
      %get3A_41 = arith.index_cast %scan3A_12 : i32 to index
      %get3A_42 = arith.constant 48 : index
      %get3A_43 = tpu.vector_load %arg5[%get3A_41, %get3A_42] {strides = array<i32>} : memref<256x64xf32, #tpu.memory_space<vmem>>, vector<16xf32>,
      %add3A_44 = arith.constant 48 : i32
      %add3A_45 = vector.broadcast %add3A_44 : i32 to vector<16xi32>
      %add3A_46 = arith.addi %iota3A, %add3A_45 : vector<16xi32>
      %masked_sort3A_47 = arith.constant dense<true> : vector<16xi1>
      %masked_sort3A_48, %masked_sort3A_49, %masked_sort3A_50 = tpu.sort %get3A_43, %add3A_46 masked %masked_sort3A_47 {descending = true} : (vector<16xf32>, vector<16xi32>, vector<16xi1>) -> (vector<16xi1>, vector<16xf32>, vector<16xi32>)
      %iota3A_51 = tpu.iota {dimensions = array<i32: 0>} : vector<16xi32>
      %lt3A_52 = arith.constant 8 : i32
      %lt3A_53 = vector.broadcast %lt3A_52 : i32 to vector<16xi32>
      %lt3A_54 = arith.cmpi slt, %iota3A_51, %lt3A_53 : vector<16xi32>
      %rev3A = arith.constant 15 : i32
      %rev3A_55 = vector.broadcast %rev3A : i32 to vector<16xi32>
      %rev3A_56 = tpu.iota {dimensions = array<i32: 0>} : vector<16xi32>
      %rev3A_57 = arith.subi %rev3A_55, %rev3A_56 : vector<16xi32>
      %rev3A_58 = tpu.dynamic_gather %masked_sort3A_29[%rev3A_57] in [0] : vector<16xf32>, vector<16xi32> -> vector<16xf32>
      %select_n3A = arith.select %lt3A_54, %masked_sort3A_19, %rev3A_58 : vector<16xi1>, vector<16xf32>
      %rev3A_59 = arith.constant 15 : i32
      %rev3A_60 = vector.broadcast %rev3A_59 : i32 to vector<16xi32>
      %rev3A_61 = tpu.iota {dimensions = array<i32: 0>} : vector<16xi32>
      %rev3A_62 = arith.subi %rev3A_60, %rev3A_61 : vector<16xi32>
      %rev3A_63 = tpu.dynamic_gather %masked_sort3A_30[%rev3A_62] in [0] : vector<16xi32>, vector<16xi32> -> vector<16xi32>
      %select_n3A_64 = arith.select %lt3A_54, %masked_sort3A_20, %rev3A_63 : vector<16xi1>, vector<16xi32>
      %masked_sort3A_65 = arith.constant dense<true> : vector<16xi1>
      %masked_sort3A_66, %masked_sort3A_67, %masked_sort3A_68 = tpu.sort %select_n3A, %select_n3A_64 masked %masked_sort3A_65 {descending = true} : (vector<16xf32>, vector<16xi32>, vector<16xi1>) -> (vector<16xi1>, vector<16xf32>, vector<16xi32>)
      %iota3A_69 = tpu.iota {dimensions = array<i32: 0>} : vector<16xi32>
      %lt3A_70 = arith.constant 8 : i32
      %lt3A_71 = vector.broadcast %lt3A_70 : i32 to vector<16xi32>
      %lt3A_72 = arith.cmpi slt, %iota3A_69, %lt3A_71 : vector<16xi32>
      %rev3A_73 = arith.constant 15 : i32
      %rev3A_74 = vector.broadcast %rev3A_73 : i32 to vector<16xi32>
      %rev3A_75 = tpu.iota {dimensions = array<i32: 0>} : vector<16xi32>
      %rev3A_76 = arith.subi %rev3A_74, %rev3A_75 : vector<16xi32>
      %rev3A_77 = tpu.dynamic_gather %masked_sort3A_49[%rev3A_76] in [0] : vector<16xf32>, vector<16xi32> -> vector<16xf32>
      %select_n3A_78 = arith.select %lt3A_72, %masked_sort3A_39, %rev3A_77 : vector<16xi1>, vector<16xf32>
      %rev3A_79 = arith.constant 15 : i32
      %rev3A_80 = vector.broadcast %rev3A_79 : i32 to vector<16xi32>
      %rev3A_81 = tpu.iota {dimensions = array<i32: 0>} : vector<16xi32>
      %rev3A_82 = arith.subi %rev3A_80, %rev3A_81 : vector<16xi32>
      %rev3A_83 = tpu.dynamic_gather %masked_sort3A_50[%rev3A_82] in [0] : vector<16xi32>, vector<16xi32> -> vector<16xi32>
      %select_n3A_84 = arith.select %lt3A_72, %masked_sort3A_40, %rev3A_83 : vector<16xi1>, vector<16xi32>
      %masked_sort3A_85 = arith.constant dense<true> : vector<16xi1>
      %masked_sort3A_86, %masked_sort3A_87, %masked_sort3A_88 = tpu.sort %select_n3A_78, %select_n3A_84 masked %masked_sort3A_85 {descending = true} : (vector<16xf32>, vector<16xi32>, vector<16xi1>) -> (vector<16xi1>, vector<16xf32>, vector<16xi32>)
      %iota3A_89 = tpu.iota {dimensions = array<i32: 0>} : vector<16xi32>
      %lt3A_90 = arith.constant 8 : i32
      %lt3A_91 = vector.broadcast %lt3A_90 : i32 to vector<16xi32>
      %lt3A_92 = arith.cmpi slt, %iota3A_89, %lt3A_91 : vector<16xi32>
      %rev3A_93 = arith.constant 15 : i32
      %rev3A_94 = vector.broadcast %rev3A_93 : i32 to vector<16xi32>
      %rev3A_95 = tpu.iota {dimensions = array<i32: 0>} : vector<16xi32>
      %rev3A_96 = arith.subi %rev3A_94, %rev3A_95 : vector<16xi32>
      %rev3A_97 = tpu.dynamic_gather %masked_sort3A_87[%rev3A_96] in [0] : vector<16xf32>, vector<16xi32> -> vector<16xf32>
      %select_n3A_98 = arith.select %lt3A_92, %masked_sort3A_67, %rev3A_97 : vector<16xi1>, vector<16xf32>
      %rev3A_99 = arith.constant 15 : i32
      %rev3A_100 = vector.broadcast %rev3A_99 : i32 to vector<16xi32>
      %rev3A_101 = tpu.iota {dimensions = array<i32: 0>} : vector<16xi32>
      %rev3A_102 = arith.subi %rev3A_100, %rev3A_101 : vector<16xi32>
      %rev3A_103 = tpu.dynamic_gather %masked_sort3A_88[%rev3A_102] in [0] : vector<16xi32>, vector<16xi32> -> vector<16xi32>
      %select_n3A_104 = arith.select %lt3A_92, %masked_sort3A_68, %rev3A_103 : vector<16xi1>, vector<16xi32>
      %masked_sort3A_105 = arith.constant dense<true> : vector<16xi1>
      %masked_sort3A_106, %masked_sort3A_107, %masked_sort3A_108 = tpu.sort %select_n3A_98, %select_n3A_104 masked %masked_sort3A_105 {descending = true} : (vector<16xf32>, vector<16xi32>, vector<16xi1>) -> (vector<16xi1>, vector<16xf32>, vector<16xi32>)
      %reduce_max3A = arith.constant true
      %reduce_max3A_109 = vector.broadcast %reduce_max3A : i1 to vector<16xi1>
      %reduce_max3A_110 = tpu.scan <max>, %masked_sort3A_107 masked %reduce_max3A_109 : vector<16xf32>, vector<16xi1> -> vector<16xf32>
      %reduce_max3A_111 = vector.extract %reduce_max3A_110[15] : f32 from vector<16xf32>
      %sub3A = vector.broadcast %reduce_max3A_111 : f32 to vector<16xf32>
      %sub3A_112 = arith.subf %masked_sort3A_107, %sub3A : vector<16xf32>
      %exp3A = math.exp %sub3A_112 : vector<16xf32>
      %jit3A = arith.constant 0.000000e+00 : f32
      %broadcast_in_dim3A = vector.broadcast %jit3A : f32 to vector<16xf32>
      %select_n3A_113 = arith.select %lt3A_2, %exp3A, %broadcast_in_dim3A : vector<16xi1>, vector<16xf32>
      %reduce_sum3A = arith.constant true
      %reduce_sum3A_114 = vector.broadcast %reduce_sum3A : i1 to vector<16xi1>
      %reduce_sum3A_115 = tpu.scan <sum>, %select_n3A_113 masked %reduce_sum3A_114 : vector<16xf32>, vector<16xi1> -> vector<16xf32>
      %reduce_sum3A_116 = vector.extract %reduce_sum3A_115[15] : f32 from vector<16xf32>
      %div3A = vector.broadcast %reduce_sum3A_116 : f32 to vector<16xf32>
      %div3A_117 = arith.divf %exp3A, %div3A : vector<16xf32>
      %broadcast_in_dim3A_118 = vector.broadcast %scan3A_12 : i32 to vector<16xi32>
      %broadcast_in_dim3A_119 = arith.constant 0.000000e+00 : f32
      %broadcast_in_dim3A_120 = vector.broadcast %broadcast_in_dim3A_119 : f32 to vector<16xf32>
      %swap3A = arith.index_cast %scan3A_12 : i32 to index
      %swap3A_121 = arith.constant 0 : index
      %swap3A_122 = tpu.vector_load %arg6[%swap3A, %swap3A_121] {strides = array<i32>} : memref<256x64xf32, #tpu.memory_space<vmem>>, vector<16xf32>,
      tpu.vector_store %arg6[%swap3A, %swap3A_121], %broadcast_in_dim3A_120 {strides = array<i32>} : memref<256x64xf32, #tpu.memory_space<vmem>>, vector<16xf32>,
      %broadcast_in_dim3A_123 = arith.constant 0.000000e+00 : f32
      %broadcast_in_dim3A_124 = vector.broadcast %broadcast_in_dim3A_123 : f32 to vector<16xf32>
      %swap3A_125 = arith.index_cast %scan3A_12 : i32 to index
      %swap3A_126 = arith.constant 16 : index
      %swap3A_127 = tpu.vector_load %arg6[%swap3A_125, %swap3A_126] {strides = array<i32>} : memref<256x64xf32, #tpu.memory_space<vmem>>, vector<16xf32>,
      tpu.vector_store %arg6[%swap3A_125, %swap3A_126], %broadcast_in_dim3A_124 {strides = array<i32>} : memref<256x64xf32, #tpu.memory_space<vmem>>, vector<16xf32>,
      %broadcast_in_dim3A_128 = arith.constant 0.000000e+00 : f32
      %broadcast_in_dim3A_129 = vector.broadcast %broadcast_in_dim3A_128 : f32 to vector<16xf32>
      %swap3A_130 = arith.index_cast %scan3A_12 : i32 to index
      %swap3A_131 = arith.constant 32 : index
      %swap3A_132 = tpu.vector_load %arg6[%swap3A_130, %swap3A_131] {strides = array<i32>} : memref<256x64xf32, #tpu.memory_space<vmem>>, vector<16xf32>,
      tpu.vector_store %arg6[%swap3A_130, %swap3A_131], %broadcast_in_dim3A_129 {strides = array<i32>} : memref<256x64xf32, #tpu.memory_space<vmem>>, vector<16xf32>,
      %broadcast_in_dim3A_133 = arith.constant 0.000000e+00 : f32
      %broadcast_in_dim3A_134 = vector.broadcast %broadcast_in_dim3A_133 : f32 to vector<16xf32>
      %swap3A_135 = arith.index_cast %scan3A_12 : i32 to index
      %swap3A_136 = arith.constant 48 : index
      %swap3A_137 = tpu.vector_load %arg6[%swap3A_135, %swap3A_136] {strides = array<i32>} : memref<256x64xf32, #tpu.memory_space<vmem>>, vector<16xf32>,
      tpu.vector_store %arg6[%swap3A_135, %swap3A_136], %broadcast_in_dim3A_134 {strides = array<i32>} : memref<256x64xf32, #tpu.memory_space<vmem>>, vector<16xf32>,
      tpu.vector_store_idx %arg6[%broadcast_in_dim3A_118, %masked_sort3A_108], %div3A_117 masked %lt3A_2 : memref<256x64xf32, #tpu.memory_space<vmem>>[vector<16xi32>, vector<16xi32>], vector<16xf32>, vector<16xi1>
      tpu.vector_store_idx %arg7[%broadcast_in_dim3A_118, %iota3A], %masked_sort3A_108 masked %lt3A_2 : memref<256x8xi32, #tpu.memory_space<vmem>>[vector<16xi32>, vector<16xi32>], vector<16xi32>, vector<16xi1>
    }
    %scan3A_11 = arith.constant 256 : i32
    "tpu.region"() ({
      %run_scoped3A = tpu.sem_alloc : memref<!tpu.dma_semaphore, #tpu.memory_space<semaphore_mem>>
      %dma_start3A = arith.constant 0 : i32
      %dma_start3A_12 = tpu.memref_slice %arg3[%add3A_6, %dma_start3A] : memref<8192x64xf32, #tpu.memory_space<hbm>> -> memref<256x64xf32, #tpu.memory_space<hbm>>
      %dma_start3A_13 = arith.constant 0 : i32
      %dma_start3A_14 = tpu.memref_slice %arg3[%add3A_6, %dma_start3A_13] : memref<8192x64xf32, #tpu.memory_space<hbm>> -> memref<256x64xf32, #tpu.memory_space<hbm>>
      tpu.enqueue_dma source(%arg6 : memref<256x64xf32, #tpu.memory_space<vmem>>) target(%dma_start3A_14 : memref<256x64xf32, #tpu.memory_space<hbm>>) target_semaphore(%run_scoped3A : memref<!tpu.dma_semaphore, #tpu.memory_space<semaphore_mem>>)
      %dma_wait3A = arith.constant 0 : i32
      %dma_wait3A_15 = tpu.memref_slice %arg3[%add3A_6, %dma_wait3A] : memref<8192x64xf32, #tpu.memory_space<hbm>> -> memref<256x64xf32, #tpu.memory_space<hbm>>
      %dma_wait3A_16 = arith.constant 0 : i32
      %dma_wait3A_17 = tpu.memref_slice %arg3[%add3A_6, %dma_wait3A_16] : memref<8192x64xf32, #tpu.memory_space<hbm>> -> memref<256x64xf32, #tpu.memory_space<hbm>>
      tpu.wait_dma2 semaphore(%run_scoped3A : memref<!tpu.dma_semaphore, #tpu.memory_space<semaphore_mem>>) src(%arg6 : memref<256x64xf32, #tpu.memory_space<vmem>>) dst(%dma_wait3A_17 : memref<256x64xf32, #tpu.memory_space<hbm>>)
      tpu.yield
    }) : () -> ()
    "tpu.region"() ({
      %run_scoped3A = tpu.sem_alloc : memref<!tpu.dma_semaphore, #tpu.memory_space<semaphore_mem>>
      %dma_start3A = arith.constant 0 : i32
      %dma_start3A_12 = tpu.memref_slice %arg4[%add3A_6, %dma_start3A] : memref<8192x8xi32, #tpu.memory_space<hbm>> -> memref<256x8xi32, #tpu.memory_space<hbm>>
      %dma_start3A_13 = arith.constant 0 : i32
      %dma_start3A_14 = tpu.memref_slice %arg4[%add3A_6, %dma_start3A_13] : memref<8192x8xi32, #tpu.memory_space<hbm>> -> memref<256x8xi32, #tpu.memory_space<hbm>>
      tpu.enqueue_dma source(%arg7 : memref<256x8xi32, #tpu.memory_space<vmem>>) target(%dma_start3A_14 : memref<256x8xi32, #tpu.memory_space<hbm>>) target_semaphore(%run_scoped3A : memref<!tpu.dma_semaphore, #tpu.memory_space<semaphore_mem>>)
      %dma_wait3A = arith.constant 0 : i32
      %dma_wait3A_15 = tpu.memref_slice %arg4[%add3A_6, %dma_wait3A] : memref<8192x8xi32, #tpu.memory_space<hbm>> -> memref<256x8xi32, #tpu.memory_space<hbm>>
      %dma_wait3A_16 = arith.constant 0 : i32
      %dma_wait3A_17 = tpu.memref_slice %arg4[%add3A_6, %dma_wait3A_16] : memref<8192x8xi32, #tpu.memory_space<hbm>> -> memref<256x8xi32, #tpu.memory_space<hbm>>
      tpu.wait_dma2 semaphore(%run_scoped3A : memref<!tpu.dma_semaphore, #tpu.memory_space<semaphore_mem>>) src(%arg7 : memref<256x8xi32, #tpu.memory_space<vmem>>) dst(%dma_wait3A_17 : memref<256x8xi32, #tpu.memory_space<hbm>>)
      tpu.yield
    }) : () -> ()
    return
  }
}

#map = affine_map<(d0, d1) -> (0, 0)>
module attributes {stable_mosaic.version = 14 : i64} {
  func.func @_sc_router_body(%arg0: i32, %arg1: i32, %arg2: memref<8192x64xf32, #tpu.memory_space<hbm>>, %arg3: memref<8192x64xf32, #tpu.memory_space<hbm>>, %arg4: memref<8192x8xi32, #tpu.memory_space<hbm>>, %arg5: memref<256x64xf32, #tpu.memory_space<vmem>>, %arg6: memref<256x64xf32, #tpu.memory_space<vmem>>, %arg7: memref<256x8xi32, #tpu.memory_space<vmem>>) attributes {dimension_semantics = [#tpu.dimension_semantics<core_parallel>, #tpu.dimension_semantics<subcore_parallel>], iteration_bounds = array<i64: 2, 16>, scalar_prefetch = 0 : i64, scratch_operands = 3 : i64, tpu.core_type = #tpu.core_type<sc_vector_subcore>, window_params = [{transform_indices = #map}, {transform_indices = #map}, {transform_indices = #map}]} {
    %mul3A = arith.constant 2 : i32
    %mul3A_0 = arith.muli %arg1, %mul3A : i32
    %add3A = arith.addi %mul3A_0, %arg0 : i32
    %iota3A = tpu.iota {dimensions = array<i32: 0>} : vector<16xi32>
    %lt3A = arith.constant 8 : i32
    %lt3A_1 = vector.broadcast %lt3A : i32 to vector<16xi32>
    %lt3A_2 = arith.cmpi slt, %iota3A, %lt3A_1 : vector<16xi32>
    %mul3A_3 = arith.constant 256 : i32
    %mul3A_4 = arith.muli %add3A, %mul3A_3 : i32
    %add3A_5 = arith.constant 0 : i32
    %add3A_6 = arith.addi %mul3A_4, %add3A_5 : i32
    "tpu.region"() ({
      %run_scoped3A = tpu.sem_alloc : memref<!tpu.dma_semaphore, #tpu.memory_space<semaphore_mem>>
      %dma_start3A = arith.constant 0 : i32
      %dma_start3A_12 = tpu.memref_slice %arg2[%add3A_6, %dma_start3A] : memref<8192x64xf32, #tpu.memory_space<hbm>> -> memref<256x64xf32, #tpu.memory_space<hbm>>
      %dma_start3A_13 = arith.constant 0 : i32
      %dma_start3A_14 = tpu.memref_slice %arg2[%add3A_6, %dma_start3A_13] : memref<8192x64xf32, #tpu.memory_space<hbm>> -> memref<256x64xf32, #tpu.memory_space<hbm>>
      tpu.enqueue_dma source(%dma_start3A_14 : memref<256x64xf32, #tpu.memory_space<hbm>>) target(%arg5 : memref<256x64xf32, #tpu.memory_space<vmem>>) target_semaphore(%run_scoped3A : memref<!tpu.dma_semaphore, #tpu.memory_space<semaphore_mem>>)
      %dma_wait3A = arith.constant 0 : i32
      %dma_wait3A_15 = tpu.memref_slice %arg2[%add3A_6, %dma_wait3A] : memref<8192x64xf32, #tpu.memory_space<hbm>> -> memref<256x64xf32, #tpu.memory_space<hbm>>
      %dma_wait3A_16 = arith.constant 0 : i32
      %dma_wait3A_17 = tpu.memref_slice %arg2[%add3A_6, %dma_wait3A_16] : memref<8192x64xf32, #tpu.memory_space<hbm>> -> memref<256x64xf32, #tpu.memory_space<hbm>>
      tpu.wait_dma2 semaphore(%run_scoped3A : memref<!tpu.dma_semaphore, #tpu.memory_space<semaphore_mem>>) src(%dma_wait3A_17 : memref<256x64xf32, #tpu.memory_space<hbm>>) dst(%arg5 : memref<256x64xf32, #tpu.memory_space<vmem>>)
      tpu.yield
    }) : () -> ()
    %scan3A = arith.constant 0 : i32
    %scan3A_7 = arith.constant 0 : i32
    %scan3A_8 = arith.constant 256 : i32
    %scan3A_9 = arith.addi %scan3A_7, %scan3A_8 : i32
    %scan3A_10 = arith.constant 1 : i32
    scf.for %scan3A_12 = %scan3A_7 to %scan3A_9 step %scan3A_10  : i32 {
      %get3A = arith.index_cast %scan3A_12 : i32 to index
      %get3A_13 = arith.constant 0 : index
      %get3A_14 = tpu.vector_load %arg5[%get3A, %get3A_13] {strides = array<i32>} : memref<256x64xf32, #tpu.memory_space<vmem>>, vector<16xf32>,
      %add3A_15 = arith.constant 0 : i32
      %add3A_16 = vector.broadcast %add3A_15 : i32 to vector<16xi32>
      %add3A_17 = arith.addi %iota3A, %add3A_16 : vector<16xi32>
      %masked_sort3A = arith.constant dense<true> : vector<16xi1>
      %masked_sort3A_18, %masked_sort3A_19, %masked_sort3A_20 = tpu.sort %get3A_14, %add3A_17 masked %masked_sort3A {descending = true} : (vector<16xf32>, vector<16xi32>, vector<16xi1>) -> (vector<16xi1>, vector<16xf32>, vector<16xi32>)
      %get3A_21 = arith.index_cast %scan3A_12 : i32 to index
      %get3A_22 = arith.constant 16 : index
      %get3A_23 = tpu.vector_load %arg5[%get3A_21, %get3A_22] {strides = array<i32>} : memref<256x64xf32, #tpu.memory_space<vmem>>, vector<16xf32>,
      %add3A_24 = arith.constant 16 : i32
      %add3A_25 = vector.broadcast %add3A_24 : i32 to vector<16xi32>
      %add3A_26 = arith.addi %iota3A, %add3A_25 : vector<16xi32>
      %masked_sort3A_27 = arith.constant dense<true> : vector<16xi1>
      %masked_sort3A_28, %masked_sort3A_29, %masked_sort3A_30 = tpu.sort %get3A_23, %add3A_26 masked %masked_sort3A_27 {descending = true} : (vector<16xf32>, vector<16xi32>, vector<16xi1>) -> (vector<16xi1>, vector<16xf32>, vector<16xi32>)
      %get3A_31 = arith.index_cast %scan3A_12 : i32 to index
      %get3A_32 = arith.constant 32 : index
      %get3A_33 = tpu.vector_load %arg5[%get3A_31, %get3A_32] {strides = array<i32>} : memref<256x64xf32, #tpu.memory_space<vmem>>, vector<16xf32>,
      %add3A_34 = arith.constant 32 : i32
      %add3A_35 = vector.broadcast %add3A_34 : i32 to vector<16xi32>
      %add3A_36 = arith.addi %iota3A, %add3A_35 : vector<16xi32>
      %masked_sort3A_37 = arith.constant dense<true> : vector<16xi1>
      %masked_sort3A_38, %masked_sort3A_39, %masked_sort3A_40 = tpu.sort %get3A_33, %add3A_36 masked %masked_sort3A_37 {descending = true} : (vector<16xf32>, vector<16xi32>, vector<16xi1>) -> (vector<16xi1>, vector<16xf32>, vector<16xi32>)
      %get3A_41 = arith.index_cast %scan3A_12 : i32 to index
      %get3A_42 = arith.constant 48 : index
      %get3A_43 = tpu.vector_load %arg5[%get3A_41, %get3A_42] {strides = array<i32>} : memref<256x64xf32, #tpu.memory_space<vmem>>, vector<16xf32>,
      %add3A_44 = arith.constant 48 : i32
      %add3A_45 = vector.broadcast %add3A_44 : i32 to vector<16xi32>
      %add3A_46 = arith.addi %iota3A, %add3A_45 : vector<16xi32>
      %masked_sort3A_47 = arith.constant dense<true> : vector<16xi1>
      %masked_sort3A_48, %masked_sort3A_49, %masked_sort3A_50 = tpu.sort %get3A_43, %add3A_46 masked %masked_sort3A_47 {descending = true} : (vector<16xf32>, vector<16xi32>, vector<16xi1>) -> (vector<16xi1>, vector<16xf32>, vector<16xi32>)
      %iota3A_51 = tpu.iota {dimensions = array<i32: 0>} : vector<16xi32>
      %lt3A_52 = arith.constant 8 : i32
      %lt3A_53 = vector.broadcast %lt3A_52 : i32 to vector<16xi32>
      %lt3A_54 = arith.cmpi slt, %iota3A_51, %lt3A_53 : vector<16xi32>
      %rev3A = arith.constant 15 : i32
      %rev3A_55 = vector.broadcast %rev3A : i32 to vector<16xi32>
      %rev3A_56 = tpu.iota {dimensions = array<i32: 0>} : vector<16xi32>
      %rev3A_57 = arith.subi %rev3A_55, %rev3A_56 : vector<16xi32>
      %rev3A_58 = tpu.dynamic_gather %masked_sort3A_29[%rev3A_57] in [0] : vector<16xf32>, vector<16xi32> -> vector<16xf32>
      %select_n3A = arith.select %lt3A_54, %masked_sort3A_19, %rev3A_58 : vector<16xi1>, vector<16xf32>
      %rev3A_59 = arith.constant 15 : i32
      %rev3A_60 = vector.broadcast %rev3A_59 : i32 to vector<16xi32>
      %rev3A_61 = tpu.iota {dimensions = array<i32: 0>} : vector<16xi32>
      %rev3A_62 = arith.subi %rev3A_60, %rev3A_61 : vector<16xi32>
      %rev3A_63 = tpu.dynamic_gather %masked_sort3A_30[%rev3A_62] in [0] : vector<16xi32>, vector<16xi32> -> vector<16xi32>
      %select_n3A_64 = arith.select %lt3A_54, %masked_sort3A_20, %rev3A_63 : vector<16xi1>, vector<16xi32>
      %masked_sort3A_65 = arith.constant dense<true> : vector<16xi1>
      %masked_sort3A_66, %masked_sort3A_67, %masked_sort3A_68 = tpu.sort %select_n3A, %select_n3A_64 masked %masked_sort3A_65 {descending = true} : (vector<16xf32>, vector<16xi32>, vector<16xi1>) -> (vector<16xi1>, vector<16xf32>, vector<16xi32>)
      %iota3A_69 = tpu.iota {dimensions = array<i32: 0>} : vector<16xi32>
      %lt3A_70 = arith.constant 8 : i32
      %lt3A_71 = vector.broadcast %lt3A_70 : i32 to vector<16xi32>
      %lt3A_72 = arith.cmpi slt, %iota3A_69, %lt3A_71 : vector<16xi32>
      %rev3A_73 = arith.constant 15 : i32
      %rev3A_74 = vector.broadcast %rev3A_73 : i32 to vector<16xi32>
      %rev3A_75 = tpu.iota {dimensions = array<i32: 0>} : vector<16xi32>
      %rev3A_76 = arith.subi %rev3A_74, %rev3A_75 : vector<16xi32>
      %rev3A_77 = tpu.dynamic_gather %masked_sort3A_49[%rev3A_76] in [0] : vector<16xf32>, vector<16xi32> -> vector<16xf32>
      %select_n3A_78 = arith.select %lt3A_72, %masked_sort3A_39, %rev3A_77 : vector<16xi1>, vector<16xf32>
      %rev3A_79 = arith.constant 15 : i32
      %rev3A_80 = vector.broadcast %rev3A_79 : i32 to vector<16xi32>
      %rev3A_81 = tpu.iota {dimensions = array<i32: 0>} : vector<16xi32>
      %rev3A_82 = arith.subi %rev3A_80, %rev3A_81 : vector<16xi32>
      %rev3A_83 = tpu.dynamic_gather %masked_sort3A_50[%rev3A_82] in [0] : vector<16xi32>, vector<16xi32> -> vector<16xi32>
      %select_n3A_84 = arith.select %lt3A_72, %masked_sort3A_40, %rev3A_83 : vector<16xi1>, vector<16xi32>
      %masked_sort3A_85 = arith.constant dense<true> : vector<16xi1>
      %masked_sort3A_86, %masked_sort3A_87, %masked_sort3A_88 = tpu.sort %select_n3A_78, %select_n3A_84 masked %masked_sort3A_85 {descending = true} : (vector<16xf32>, vector<16xi32>, vector<16xi1>) -> (vector<16xi1>, vector<16xf32>, vector<16xi32>)
      %iota3A_89 = tpu.iota {dimensions = array<i32: 0>} : vector<16xi32>
      %lt3A_90 = arith.constant 8 : i32
      %lt3A_91 = vector.broadcast %lt3A_90 : i32 to vector<16xi32>
      %lt3A_92 = arith.cmpi slt, %iota3A_89, %lt3A_91 : vector<16xi32>
      %rev3A_93 = arith.constant 15 : i32
      %rev3A_94 = vector.broadcast %rev3A_93 : i32 to vector<16xi32>
      %rev3A_95 = tpu.iota {dimensions = array<i32: 0>} : vector<16xi32>
      %rev3A_96 = arith.subi %rev3A_94, %rev3A_95 : vector<16xi32>
      %rev3A_97 = tpu.dynamic_gather %masked_sort3A_87[%rev3A_96] in [0] : vector<16xf32>, vector<16xi32> -> vector<16xf32>
      %select_n3A_98 = arith.select %lt3A_92, %masked_sort3A_67, %rev3A_97 : vector<16xi1>, vector<16xf32>
      %rev3A_99 = arith.constant 15 : i32
      %rev3A_100 = vector.broadcast %rev3A_99 : i32 to vector<16xi32>
      %rev3A_101 = tpu.iota {dimensions = array<i32: 0>} : vector<16xi32>
      %rev3A_102 = arith.subi %rev3A_100, %rev3A_101 : vector<16xi32>
      %rev3A_103 = tpu.dynamic_gather %masked_sort3A_88[%rev3A_102] in [0] : vector<16xi32>, vector<16xi32> -> vector<16xi32>
      %select_n3A_104 = arith.select %lt3A_92, %masked_sort3A_68, %rev3A_103 : vector<16xi1>, vector<16xi32>
      %masked_sort3A_105 = arith.constant dense<true> : vector<16xi1>
      %masked_sort3A_106, %masked_sort3A_107, %masked_sort3A_108 = tpu.sort %select_n3A_98, %select_n3A_104 masked %masked_sort3A_105 {descending = true} : (vector<16xf32>, vector<16xi32>, vector<16xi1>) -> (vector<16xi1>, vector<16xf32>, vector<16xi32>)
      %reduce_max3A = arith.constant true
      %reduce_max3A_109 = vector.broadcast %reduce_max3A : i1 to vector<16xi1>
      %reduce_max3A_110 = tpu.scan <max>, %masked_sort3A_107 masked %reduce_max3A_109 : vector<16xf32>, vector<16xi1> -> vector<16xf32>
      %reduce_max3A_111 = vector.extract %reduce_max3A_110[15] : f32 from vector<16xf32>
      %sub3A = vector.broadcast %reduce_max3A_111 : f32 to vector<16xf32>
      %sub3A_112 = arith.subf %masked_sort3A_107, %sub3A : vector<16xf32>
      %exp3A = math.exp %sub3A_112 : vector<16xf32>
      %jit3A = arith.constant 0.000000e+00 : f32
      %broadcast_in_dim3A = vector.broadcast %jit3A : f32 to vector<16xf32>
      %select_n3A_113 = arith.select %lt3A_2, %exp3A, %broadcast_in_dim3A : vector<16xi1>, vector<16xf32>
      %reduce_sum3A = arith.constant true
      %reduce_sum3A_114 = vector.broadcast %reduce_sum3A : i1 to vector<16xi1>
      %reduce_sum3A_115 = tpu.scan <sum>, %select_n3A_113 masked %reduce_sum3A_114 : vector<16xf32>, vector<16xi1> -> vector<16xf32>
      %reduce_sum3A_116 = vector.extract %reduce_sum3A_115[15] : f32 from vector<16xf32>
      %div3A = vector.broadcast %reduce_sum3A_116 : f32 to vector<16xf32>
      %div3A_117 = arith.divf %exp3A, %div3A : vector<16xf32>
      %broadcast_in_dim3A_118 = vector.broadcast %scan3A_12 : i32 to vector<16xi32>
      %broadcast_in_dim3A_119 = arith.constant 0.000000e+00 : f32
      %broadcast_in_dim3A_120 = vector.broadcast %broadcast_in_dim3A_119 : f32 to vector<16xf32>
      %swap3A = arith.index_cast %scan3A_12 : i32 to index
      %swap3A_121 = arith.constant 0 : index
      %swap3A_122 = tpu.vector_load %arg6[%swap3A, %swap3A_121] {strides = array<i32>} : memref<256x64xf32, #tpu.memory_space<vmem>>, vector<16xf32>,
      tpu.vector_store %arg6[%swap3A, %swap3A_121], %broadcast_in_dim3A_120 {strides = array<i32>} : memref<256x64xf32, #tpu.memory_space<vmem>>, vector<16xf32>,
      %broadcast_in_dim3A_123 = arith.constant 0.000000e+00 : f32
      %broadcast_in_dim3A_124 = vector.broadcast %broadcast_in_dim3A_123 : f32 to vector<16xf32>
      %swap3A_125 = arith.index_cast %scan3A_12 : i32 to index
      %swap3A_126 = arith.constant 16 : index
      %swap3A_127 = tpu.vector_load %arg6[%swap3A_125, %swap3A_126] {strides = array<i32>} : memref<256x64xf32, #tpu.memory_space<vmem>>, vector<16xf32>,
      tpu.vector_store %arg6[%swap3A_125, %swap3A_126], %broadcast_in_dim3A_124 {strides = array<i32>} : memref<256x64xf32, #tpu.memory_space<vmem>>, vector<16xf32>,
      %broadcast_in_dim3A_128 = arith.constant 0.000000e+00 : f32
      %broadcast_in_dim3A_129 = vector.broadcast %broadcast_in_dim3A_128 : f32 to vector<16xf32>
      %swap3A_130 = arith.index_cast %scan3A_12 : i32 to index
      %swap3A_131 = arith.constant 32 : index
      %swap3A_132 = tpu.vector_load %arg6[%swap3A_130, %swap3A_131] {strides = array<i32>} : memref<256x64xf32, #tpu.memory_space<vmem>>, vector<16xf32>,
      tpu.vector_store %arg6[%swap3A_130, %swap3A_131], %broadcast_in_dim3A_129 {strides = array<i32>} : memref<256x64xf32, #tpu.memory_space<vmem>>, vector<16xf32>,
      %broadcast_in_dim3A_133 = arith.constant 0.000000e+00 : f32
      %broadcast_in_dim3A_134 = vector.broadcast %broadcast_in_dim3A_133 : f32 to vector<16xf32>
      %swap3A_135 = arith.index_cast %scan3A_12 : i32 to index
      %swap3A_136 = arith.constant 48 : index
      %swap3A_137 = tpu.vector_load %arg6[%swap3A_135, %swap3A_136] {strides = array<i32>} : memref<256x64xf32, #tpu.memory_space<vmem>>, vector<16xf32>,
      tpu.vector_store %arg6[%swap3A_135, %swap3A_136], %broadcast_in_dim3A_134 {strides = array<i32>} : memref<256x64xf32, #tpu.memory_space<vmem>>, vector<16xf32>,
      tpu.vector_store_idx %arg6[%broadcast_in_dim3A_118, %masked_sort3A_108], %div3A_117 masked %lt3A_2 : memref<256x64xf32, #tpu.memory_space<vmem>>[vector<16xi32>, vector<16xi32>], vector<16xf32>, vector<16xi1>
      tpu.vector_store_idx %arg7[%broadcast_in_dim3A_118, %iota3A], %masked_sort3A_108 masked %lt3A_2 : memref<256x8xi32, #tpu.memory_space<vmem>>[vector<16xi32>, vector<16xi32>], vector<16xi32>, vector<16xi1>
    }
    %scan3A_11 = arith.constant 256 : i32
    "tpu.region"() ({
      %run_scoped3A = tpu.sem_alloc : memref<!tpu.dma_semaphore, #tpu.memory_space<semaphore_mem>>
      %dma_start3A = arith.constant 0 : i32
      %dma_start3A_12 = tpu.memref_slice %arg3[%add3A_6, %dma_start3A] : memref<8192x64xf32, #tpu.memory_space<hbm>> -> memref<256x64xf32, #tpu.memory_space<hbm>>
      %dma_start3A_13 = arith.constant 0 : i32
      %dma_start3A_14 = tpu.memref_slice %arg3[%add3A_6, %dma_start3A_13] : memref<8192x64xf32, #tpu.memory_space<hbm>> -> memref<256x64xf32, #tpu.memory_space<hbm>>
      tpu.enqueue_dma source(%arg6 : memref<256x64xf32, #tpu.memory_space<vmem>>) target(%dma_start3A_14 : memref<256x64xf32, #tpu.memory_space<hbm>>) target_semaphore(%run_scoped3A : memref<!tpu.dma_semaphore, #tpu.memory_space<semaphore_mem>>)
      %dma_wait3A = arith.constant 0 : i32
      %dma_wait3A_15 = tpu.memref_slice %arg3[%add3A_6, %dma_wait3A] : memref<8192x64xf32, #tpu.memory_space<hbm>> -> memref<256x64xf32, #tpu.memory_space<hbm>>
      %dma_wait3A_16 = arith.constant 0 : i32
      %dma_wait3A_17 = tpu.memref_slice %arg3[%add3A_6, %dma_wait3A_16] : memref<8192x64xf32, #tpu.memory_space<hbm>> -> memref<256x64xf32, #tpu.memory_space<hbm>>
      tpu.wait_dma2 semaphore(%run_scoped3A : memref<!tpu.dma_semaphore, #tpu.memory_space<semaphore_mem>>) src(%arg6 : memref<256x64xf32, #tpu.memory_space<vmem>>) dst(%dma_wait3A_17 : memref<256x64xf32, #tpu.memory_space<hbm>>)
      tpu.yield
    }) : () -> ()
    "tpu.region"() ({
      %run_scoped3A = tpu.sem_alloc : memref<!tpu.dma_semaphore, #tpu.memory_space<semaphore_mem>>
      %dma_start3A = arith.constant 0 : i32
      %dma_start3A_12 = tpu.memref_slice %arg4[%add3A_6, %dma_start3A] : memref<8192x8xi32, #tpu.memory_space<hbm>> -> memref<256x8xi32, #tpu.memory_space<hbm>>
      %dma_start3A_13 = arith.constant 0 : i32
      %dma_start3A_14 = tpu.memref_slice %arg4[%add3A_6, %dma_start3A_13] : memref<8192x8xi32, #tpu.memory_space<hbm>> -> memref<256x8xi32, #tpu.memory_space<hbm>>
      tpu.enqueue_dma source(%arg7 : memref<256x8xi32, #tpu.memory_space<vmem>>) target(%dma_start3A_14 : memref<256x8xi32, #tpu.memory_space<hbm>>) target_semaphore(%run_scoped3A : memref<!tpu.dma_semaphore, #tpu.memory_space<semaphore_mem>>)
      %dma_wait3A = arith.constant 0 : i32
      %dma_wait3A_15 = tpu.memref_slice %arg4[%add3A_6, %dma_wait3A] : memref<8192x8xi32, #tpu.memory_space<hbm>> -> memref<256x8xi32, #tpu.memory_space<hbm>>
      %dma_wait3A_16 = arith.constant 0 : i32
      %dma_wait3A_17 = tpu.memref_slice %arg4[%add3A_6, %dma_wait3A_16] : memref<8192x8xi32, #tpu.memory_space<hbm>> -> memref<256x8xi32, #tpu.memory_space<hbm>>
      tpu.wait_dma2 semaphore(%run_scoped3A : memref<!tpu.dma_semaphore, #tpu.memory_space<semaphore_mem>>) src(%arg7 : memref<256x8xi32, #tpu.memory_space<vmem>>) dst(%dma_wait3A_17 : memref<256x8xi32, #tpu.memory_space<hbm>>)
      tpu.yield
    }) : () -> ()
    return
  }
}

#map = affine_map<(d0, d1) -> (0, 0)>
module attributes {stable_mosaic.version = 14 : i64} {
  func.func @_sc_router_body(%arg0: i32, %arg1: i32, %arg2: memref<8192x64xf32, #tpu.memory_space<hbm>>, %arg3: memref<8192x64xf32, #tpu.memory_space<hbm>>, %arg4: memref<8192x8xi32, #tpu.memory_space<hbm>>, %arg5: memref<256x64xf32, #tpu.memory_space<vmem>>, %arg6: memref<256x64xf32, #tpu.memory_space<vmem>>, %arg7: memref<256x8xi32, #tpu.memory_space<vmem>>) attributes {dimension_semantics = [#tpu.dimension_semantics<core_parallel>, #tpu.dimension_semantics<subcore_parallel>], iteration_bounds = array<i64: 2, 16>, scalar_prefetch = 0 : i64, scratch_operands = 3 : i64, tpu.core_type = #tpu.core_type<sc_vector_subcore>, window_params = [{transform_indices = #map}, {transform_indices = #map}, {transform_indices = #map}]} {
    %mul3A = arith.constant 2 : i32
    %mul3A_0 = arith.muli %arg1, %mul3A : i32
    %add3A = arith.addi %mul3A_0, %arg0 : i32
    %iota3A = tpu.iota {dimensions = array<i32: 0>} : vector<16xi32>
    %lt3A = arith.constant 8 : i32
    %lt3A_1 = vector.broadcast %lt3A : i32 to vector<16xi32>
    %lt3A_2 = arith.cmpi slt, %iota3A, %lt3A_1 : vector<16xi32>
    %mul3A_3 = arith.constant 256 : i32
    %mul3A_4 = arith.muli %add3A, %mul3A_3 : i32
    %add3A_5 = arith.constant 0 : i32
    %add3A_6 = arith.addi %mul3A_4, %add3A_5 : i32
    "tpu.region"() ({
      %run_scoped3A = tpu.sem_alloc : memref<!tpu.dma_semaphore, #tpu.memory_space<semaphore_mem>>
      %dma_start3A = arith.constant 0 : i32
      %dma_start3A_12 = tpu.memref_slice %arg2[%add3A_6, %dma_start3A] : memref<8192x64xf32, #tpu.memory_space<hbm>> -> memref<256x64xf32, #tpu.memory_space<hbm>>
      %dma_start3A_13 = arith.constant 0 : i32
      %dma_start3A_14 = tpu.memref_slice %arg2[%add3A_6, %dma_start3A_13] : memref<8192x64xf32, #tpu.memory_space<hbm>> -> memref<256x64xf32, #tpu.memory_space<hbm>>
      tpu.enqueue_dma source(%dma_start3A_14 : memref<256x64xf32, #tpu.memory_space<hbm>>) target(%arg5 : memref<256x64xf32, #tpu.memory_space<vmem>>) target_semaphore(%run_scoped3A : memref<!tpu.dma_semaphore, #tpu.memory_space<semaphore_mem>>)
      %dma_wait3A = arith.constant 0 : i32
      %dma_wait3A_15 = tpu.memref_slice %arg2[%add3A_6, %dma_wait3A] : memref<8192x64xf32, #tpu.memory_space<hbm>> -> memref<256x64xf32, #tpu.memory_space<hbm>>
      %dma_wait3A_16 = arith.constant 0 : i32
      %dma_wait3A_17 = tpu.memref_slice %arg2[%add3A_6, %dma_wait3A_16] : memref<8192x64xf32, #tpu.memory_space<hbm>> -> memref<256x64xf32, #tpu.memory_space<hbm>>
      tpu.wait_dma2 semaphore(%run_scoped3A : memref<!tpu.dma_semaphore, #tpu.memory_space<semaphore_mem>>) src(%dma_wait3A_17 : memref<256x64xf32, #tpu.memory_space<hbm>>) dst(%arg5 : memref<256x64xf32, #tpu.memory_space<vmem>>)
      tpu.yield
    }) : () -> ()
    %scan3A = arith.constant 0 : i32
    %scan3A_7 = arith.constant 0 : i32
    %scan3A_8 = arith.constant 256 : i32
    %scan3A_9 = arith.addi %scan3A_7, %scan3A_8 : i32
    %scan3A_10 = arith.constant 1 : i32
    scf.for %scan3A_12 = %scan3A_7 to %scan3A_9 step %scan3A_10  : i32 {
      %get3A = arith.index_cast %scan3A_12 : i32 to index
      %get3A_13 = arith.constant 0 : index
      %get3A_14 = tpu.vector_load %arg5[%get3A, %get3A_13] {strides = array<i32>} : memref<256x64xf32, #tpu.memory_space<vmem>>, vector<16xf32>,
      %add3A_15 = arith.constant 0 : i32
      %add3A_16 = vector.broadcast %add3A_15 : i32 to vector<16xi32>
      %add3A_17 = arith.addi %iota3A, %add3A_16 : vector<16xi32>
      %masked_sort3A = arith.constant dense<true> : vector<16xi1>
      %masked_sort3A_18, %masked_sort3A_19, %masked_sort3A_20 = tpu.sort %get3A_14, %add3A_17 masked %masked_sort3A {descending = true} : (vector<16xf32>, vector<16xi32>, vector<16xi1>) -> (vector<16xi1>, vector<16xf32>, vector<16xi32>)
      %get3A_21 = arith.index_cast %scan3A_12 : i32 to index
      %get3A_22 = arith.constant 16 : index
      %get3A_23 = tpu.vector_load %arg5[%get3A_21, %get3A_22] {strides = array<i32>} : memref<256x64xf32, #tpu.memory_space<vmem>>, vector<16xf32>,
      %add3A_24 = arith.constant 16 : i32
      %add3A_25 = vector.broadcast %add3A_24 : i32 to vector<16xi32>
      %add3A_26 = arith.addi %iota3A, %add3A_25 : vector<16xi32>
      %masked_sort3A_27 = arith.constant dense<true> : vector<16xi1>
      %masked_sort3A_28, %masked_sort3A_29, %masked_sort3A_30 = tpu.sort %get3A_23, %add3A_26 masked %masked_sort3A_27 {descending = true} : (vector<16xf32>, vector<16xi32>, vector<16xi1>) -> (vector<16xi1>, vector<16xf32>, vector<16xi32>)
      %get3A_31 = arith.index_cast %scan3A_12 : i32 to index
      %get3A_32 = arith.constant 32 : index
      %get3A_33 = tpu.vector_load %arg5[%get3A_31, %get3A_32] {strides = array<i32>} : memref<256x64xf32, #tpu.memory_space<vmem>>, vector<16xf32>,
      %add3A_34 = arith.constant 32 : i32
      %add3A_35 = vector.broadcast %add3A_34 : i32 to vector<16xi32>
      %add3A_36 = arith.addi %iota3A, %add3A_35 : vector<16xi32>
      %masked_sort3A_37 = arith.constant dense<true> : vector<16xi1>
      %masked_sort3A_38, %masked_sort3A_39, %masked_sort3A_40 = tpu.sort %get3A_33, %add3A_36 masked %masked_sort3A_37 {descending = true} : (vector<16xf32>, vector<16xi32>, vector<16xi1>) -> (vector<16xi1>, vector<16xf32>, vector<16xi32>)
      %get3A_41 = arith.index_cast %scan3A_12 : i32 to index
      %get3A_42 = arith.constant 48 : index
      %get3A_43 = tpu.vector_load %arg5[%get3A_41, %get3A_42] {strides = array<i32>} : memref<256x64xf32, #tpu.memory_space<vmem>>, vector<16xf32>,
      %add3A_44 = arith.constant 48 : i32
      %add3A_45 = vector.broadcast %add3A_44 : i32 to vector<16xi32>
      %add3A_46 = arith.addi %iota3A, %add3A_45 : vector<16xi32>
      %masked_sort3A_47 = arith.constant dense<true> : vector<16xi1>
      %masked_sort3A_48, %masked_sort3A_49, %masked_sort3A_50 = tpu.sort %get3A_43, %add3A_46 masked %masked_sort3A_47 {descending = true} : (vector<16xf32>, vector<16xi32>, vector<16xi1>) -> (vector<16xi1>, vector<16xf32>, vector<16xi32>)
      %iota3A_51 = tpu.iota {dimensions = array<i32: 0>} : vector<16xi32>
      %lt3A_52 = arith.constant 8 : i32
      %lt3A_53 = vector.broadcast %lt3A_52 : i32 to vector<16xi32>
      %lt3A_54 = arith.cmpi slt, %iota3A_51, %lt3A_53 : vector<16xi32>
      %rev3A = arith.constant 15 : i32
      %rev3A_55 = vector.broadcast %rev3A : i32 to vector<16xi32>
      %rev3A_56 = tpu.iota {dimensions = array<i32: 0>} : vector<16xi32>
      %rev3A_57 = arith.subi %rev3A_55, %rev3A_56 : vector<16xi32>
      %rev3A_58 = tpu.dynamic_gather %masked_sort3A_29[%rev3A_57] in [0] : vector<16xf32>, vector<16xi32> -> vector<16xf32>
      %select_n3A = arith.select %lt3A_54, %masked_sort3A_19, %rev3A_58 : vector<16xi1>, vector<16xf32>
      %rev3A_59 = arith.constant 15 : i32
      %rev3A_60 = vector.broadcast %rev3A_59 : i32 to vector<16xi32>
      %rev3A_61 = tpu.iota {dimensions = array<i32: 0>} : vector<16xi32>
      %rev3A_62 = arith.subi %rev3A_60, %rev3A_61 : vector<16xi32>
      %rev3A_63 = tpu.dynamic_gather %masked_sort3A_30[%rev3A_62] in [0] : vector<16xi32>, vector<16xi32> -> vector<16xi32>
      %select_n3A_64 = arith.select %lt3A_54, %masked_sort3A_20, %rev3A_63 : vector<16xi1>, vector<16xi32>
      %masked_sort3A_65 = arith.constant dense<true> : vector<16xi1>
      %masked_sort3A_66, %masked_sort3A_67, %masked_sort3A_68 = tpu.sort %select_n3A, %select_n3A_64 masked %masked_sort3A_65 {descending = true} : (vector<16xf32>, vector<16xi32>, vector<16xi1>) -> (vector<16xi1>, vector<16xf32>, vector<16xi32>)
      %iota3A_69 = tpu.iota {dimensions = array<i32: 0>} : vector<16xi32>
      %lt3A_70 = arith.constant 8 : i32
      %lt3A_71 = vector.broadcast %lt3A_70 : i32 to vector<16xi32>
      %lt3A_72 = arith.cmpi slt, %iota3A_69, %lt3A_71 : vector<16xi32>
      %rev3A_73 = arith.constant 15 : i32
      %rev3A_74 = vector.broadcast %rev3A_73 : i32 to vector<16xi32>
      %rev3A_75 = tpu.iota {dimensions = array<i32: 0>} : vector<16xi32>
      %rev3A_76 = arith.subi %rev3A_74, %rev3A_75 : vector<16xi32>
      %rev3A_77 = tpu.dynamic_gather %masked_sort3A_49[%rev3A_76] in [0] : vector<16xf32>, vector<16xi32> -> vector<16xf32>
      %select_n3A_78 = arith.select %lt3A_72, %masked_sort3A_39, %rev3A_77 : vector<16xi1>, vector<16xf32>
      %rev3A_79 = arith.constant 15 : i32
      %rev3A_80 = vector.broadcast %rev3A_79 : i32 to vector<16xi32>
      %rev3A_81 = tpu.iota {dimensions = array<i32: 0>} : vector<16xi32>
      %rev3A_82 = arith.subi %rev3A_80, %rev3A_81 : vector<16xi32>
      %rev3A_83 = tpu.dynamic_gather %masked_sort3A_50[%rev3A_82] in [0] : vector<16xi32>, vector<16xi32> -> vector<16xi32>
      %select_n3A_84 = arith.select %lt3A_72, %masked_sort3A_40, %rev3A_83 : vector<16xi1>, vector<16xi32>
      %masked_sort3A_85 = arith.constant dense<true> : vector<16xi1>
      %masked_sort3A_86, %masked_sort3A_87, %masked_sort3A_88 = tpu.sort %select_n3A_78, %select_n3A_84 masked %masked_sort3A_85 {descending = true} : (vector<16xf32>, vector<16xi32>, vector<16xi1>) -> (vector<16xi1>, vector<16xf32>, vector<16xi32>)
      %iota3A_89 = tpu.iota {dimensions = array<i32: 0>} : vector<16xi32>
      %lt3A_90 = arith.constant 8 : i32
      %lt3A_91 = vector.broadcast %lt3A_90 : i32 to vector<16xi32>
      %lt3A_92 = arith.cmpi slt, %iota3A_89, %lt3A_91 : vector<16xi32>
      %rev3A_93 = arith.constant 15 : i32
      %rev3A_94 = vector.broadcast %rev3A_93 : i32 to vector<16xi32>
      %rev3A_95 = tpu.iota {dimensions = array<i32: 0>} : vector<16xi32>
      %rev3A_96 = arith.subi %rev3A_94, %rev3A_95 : vector<16xi32>
      %rev3A_97 = tpu.dynamic_gather %masked_sort3A_87[%rev3A_96] in [0] : vector<16xf32>, vector<16xi32> -> vector<16xf32>
      %select_n3A_98 = arith.select %lt3A_92, %masked_sort3A_67, %rev3A_97 : vector<16xi1>, vector<16xf32>
      %rev3A_99 = arith.constant 15 : i32
      %rev3A_100 = vector.broadcast %rev3A_99 : i32 to vector<16xi32>
      %rev3A_101 = tpu.iota {dimensions = array<i32: 0>} : vector<16xi32>
      %rev3A_102 = arith.subi %rev3A_100, %rev3A_101 : vector<16xi32>
      %rev3A_103 = tpu.dynamic_gather %masked_sort3A_88[%rev3A_102] in [0] : vector<16xi32>, vector<16xi32> -> vector<16xi32>
      %select_n3A_104 = arith.select %lt3A_92, %masked_sort3A_68, %rev3A_103 : vector<16xi1>, vector<16xi32>
      %masked_sort3A_105 = arith.constant dense<true> : vector<16xi1>
      %masked_sort3A_106, %masked_sort3A_107, %masked_sort3A_108 = tpu.sort %select_n3A_98, %select_n3A_104 masked %masked_sort3A_105 {descending = true} : (vector<16xf32>, vector<16xi32>, vector<16xi1>) -> (vector<16xi1>, vector<16xf32>, vector<16xi32>)
      %reduce_max3A = arith.constant true
      %reduce_max3A_109 = vector.broadcast %reduce_max3A : i1 to vector<16xi1>
      %reduce_max3A_110 = tpu.scan <max>, %masked_sort3A_107 masked %reduce_max3A_109 : vector<16xf32>, vector<16xi1> -> vector<16xf32>
      %reduce_max3A_111 = vector.extract %reduce_max3A_110[15] : f32 from vector<16xf32>
      %sub3A = vector.broadcast %reduce_max3A_111 : f32 to vector<16xf32>
      %sub3A_112 = arith.subf %masked_sort3A_107, %sub3A : vector<16xf32>
      %exp3A = math.exp %sub3A_112 : vector<16xf32>
      %jit3A = arith.constant 0.000000e+00 : f32
      %broadcast_in_dim3A = vector.broadcast %jit3A : f32 to vector<16xf32>
      %select_n3A_113 = arith.select %lt3A_2, %exp3A, %broadcast_in_dim3A : vector<16xi1>, vector<16xf32>
      %reduce_sum3A = arith.constant true
      %reduce_sum3A_114 = vector.broadcast %reduce_sum3A : i1 to vector<16xi1>
      %reduce_sum3A_115 = tpu.scan <sum>, %select_n3A_113 masked %reduce_sum3A_114 : vector<16xf32>, vector<16xi1> -> vector<16xf32>
      %reduce_sum3A_116 = vector.extract %reduce_sum3A_115[15] : f32 from vector<16xf32>
      %div3A = vector.broadcast %reduce_sum3A_116 : f32 to vector<16xf32>
      %div3A_117 = arith.divf %exp3A, %div3A : vector<16xf32>
      %broadcast_in_dim3A_118 = vector.broadcast %scan3A_12 : i32 to vector<16xi32>
      %broadcast_in_dim3A_119 = arith.constant 0.000000e+00 : f32
      %broadcast_in_dim3A_120 = vector.broadcast %broadcast_in_dim3A_119 : f32 to vector<16xf32>
      %swap3A = arith.index_cast %scan3A_12 : i32 to index
      %swap3A_121 = arith.constant 0 : index
      %swap3A_122 = tpu.vector_load %arg6[%swap3A, %swap3A_121] {strides = array<i32>} : memref<256x64xf32, #tpu.memory_space<vmem>>, vector<16xf32>,
      tpu.vector_store %arg6[%swap3A, %swap3A_121], %broadcast_in_dim3A_120 {strides = array<i32>} : memref<256x64xf32, #tpu.memory_space<vmem>>, vector<16xf32>,
      %broadcast_in_dim3A_123 = arith.constant 0.000000e+00 : f32
      %broadcast_in_dim3A_124 = vector.broadcast %broadcast_in_dim3A_123 : f32 to vector<16xf32>
      %swap3A_125 = arith.index_cast %scan3A_12 : i32 to index
      %swap3A_126 = arith.constant 16 : index
      %swap3A_127 = tpu.vector_load %arg6[%swap3A_125, %swap3A_126] {strides = array<i32>} : memref<256x64xf32, #tpu.memory_space<vmem>>, vector<16xf32>,
      tpu.vector_store %arg6[%swap3A_125, %swap3A_126], %broadcast_in_dim3A_124 {strides = array<i32>} : memref<256x64xf32, #tpu.memory_space<vmem>>, vector<16xf32>,
      %broadcast_in_dim3A_128 = arith.constant 0.000000e+00 : f32
      %broadcast_in_dim3A_129 = vector.broadcast %broadcast_in_dim3A_128 : f32 to vector<16xf32>
      %swap3A_130 = arith.index_cast %scan3A_12 : i32 to index
      %swap3A_131 = arith.constant 32 : index
      %swap3A_132 = tpu.vector_load %arg6[%swap3A_130, %swap3A_131] {strides = array<i32>} : memref<256x64xf32, #tpu.memory_space<vmem>>, vector<16xf32>,
      tpu.vector_store %arg6[%swap3A_130, %swap3A_131], %broadcast_in_dim3A_129 {strides = array<i32>} : memref<256x64xf32, #tpu.memory_space<vmem>>, vector<16xf32>,
      %broadcast_in_dim3A_133 = arith.constant 0.000000e+00 : f32
      %broadcast_in_dim3A_134 = vector.broadcast %broadcast_in_dim3A_133 : f32 to vector<16xf32>
      %swap3A_135 = arith.index_cast %scan3A_12 : i32 to index
      %swap3A_136 = arith.constant 48 : index
      %swap3A_137 = tpu.vector_load %arg6[%swap3A_135, %swap3A_136] {strides = array<i32>} : memref<256x64xf32, #tpu.memory_space<vmem>>, vector<16xf32>,
      tpu.vector_store %arg6[%swap3A_135, %swap3A_136], %broadcast_in_dim3A_134 {strides = array<i32>} : memref<256x64xf32, #tpu.memory_space<vmem>>, vector<16xf32>,
      tpu.vector_store_idx %arg6[%broadcast_in_dim3A_118, %masked_sort3A_108], %div3A_117 masked %lt3A_2 : memref<256x64xf32, #tpu.memory_space<vmem>>[vector<16xi32>, vector<16xi32>], vector<16xf32>, vector<16xi1>
      tpu.vector_store_idx %arg7[%broadcast_in_dim3A_118, %iota3A], %masked_sort3A_108 masked %lt3A_2 : memref<256x8xi32, #tpu.memory_space<vmem>>[vector<16xi32>, vector<16xi32>], vector<16xi32>, vector<16xi1>
    }
    %scan3A_11 = arith.constant 256 : i32
    "tpu.region"() ({
      %run_scoped3A = tpu.sem_alloc : memref<!tpu.dma_semaphore, #tpu.memory_space<semaphore_mem>>
      %dma_start3A = arith.constant 0 : i32
      %dma_start3A_12 = tpu.memref_slice %arg3[%add3A_6, %dma_start3A] : memref<8192x64xf32, #tpu.memory_space<hbm>> -> memref<256x64xf32, #tpu.memory_space<hbm>>
      %dma_start3A_13 = arith.constant 0 : i32
      %dma_start3A_14 = tpu.memref_slice %arg3[%add3A_6, %dma_start3A_13] : memref<8192x64xf32, #tpu.memory_space<hbm>> -> memref<256x64xf32, #tpu.memory_space<hbm>>
      tpu.enqueue_dma source(%arg6 : memref<256x64xf32, #tpu.memory_space<vmem>>) target(%dma_start3A_14 : memref<256x64xf32, #tpu.memory_space<hbm>>) target_semaphore(%run_scoped3A : memref<!tpu.dma_semaphore, #tpu.memory_space<semaphore_mem>>)
      %dma_wait3A = arith.constant 0 : i32
      %dma_wait3A_15 = tpu.memref_slice %arg3[%add3A_6, %dma_wait3A] : memref<8192x64xf32, #tpu.memory_space<hbm>> -> memref<256x64xf32, #tpu.memory_space<hbm>>
      %dma_wait3A_16 = arith.constant 0 : i32
      %dma_wait3A_17 = tpu.memref_slice %arg3[%add3A_6, %dma_wait3A_16] : memref<8192x64xf32, #tpu.memory_space<hbm>> -> memref<256x64xf32, #tpu.memory_space<hbm>>
      tpu.wait_dma2 semaphore(%run_scoped3A : memref<!tpu.dma_semaphore, #tpu.memory_space<semaphore_mem>>) src(%arg6 : memref<256x64xf32, #tpu.memory_space<vmem>>) dst(%dma_wait3A_17 : memref<256x64xf32, #tpu.memory_space<hbm>>)
      tpu.yield
    }) : () -> ()
    "tpu.region"() ({
      %run_scoped3A = tpu.sem_alloc : memref<!tpu.dma_semaphore, #tpu.memory_space<semaphore_mem>>
      %dma_start3A = arith.constant 0 : i32
      %dma_start3A_12 = tpu.memref_slice %arg4[%add3A_6, %dma_start3A] : memref<8192x8xi32, #tpu.memory_space<hbm>> -> memref<256x8xi32, #tpu.memory_space<hbm>>
      %dma_start3A_13 = arith.constant 0 : i32
      %dma_start3A_14 = tpu.memref_slice %arg4[%add3A_6, %dma_start3A_13] : memref<8192x8xi32, #tpu.memory_space<hbm>> -> memref<256x8xi32, #tpu.memory_space<hbm>>
      tpu.enqueue_dma source(%arg7 : memref<256x8xi32, #tpu.memory_space<vmem>>) target(%dma_start3A_14 : memref<256x8xi32, #tpu.memory_space<hbm>>) target_semaphore(%run_scoped3A : memref<!tpu.dma_semaphore, #tpu.memory_space<semaphore_mem>>)
      %dma_wait3A = arith.constant 0 : i32
      %dma_wait3A_15 = tpu.memref_slice %arg4[%add3A_6, %dma_wait3A] : memref<8192x8xi32, #tpu.memory_space<hbm>> -> memref<256x8xi32, #tpu.memory_space<hbm>>
      %dma_wait3A_16 = arith.constant 0 : i32
      %dma_wait3A_17 = tpu.memref_slice %arg4[%add3A_6, %dma_wait3A_16] : memref<8192x8xi32, #tpu.memory_space<hbm>> -> memref<256x8xi32, #tpu.memory_space<hbm>>
      tpu.wait_dma2 semaphore(%run_scoped3A : memref<!tpu.dma_semaphore, #tpu.memory_space<semaphore_mem>>) src(%arg7 : memref<256x8xi32, #tpu.memory_space<vmem>>) dst(%dma_wait3A_17 : memref<256x8xi32, #tpu.memory_space<hbm>>)
      tpu.yield
    }) : () -> ()
    return
  }
}

module attributes {stable_mosaic.version = 14 : i64} {
  func.func @_logits_body(%arg0: i32, %arg1: memref<1024x4096xf32, #tpu.memory_space<vmem>>, %arg2: memref<4096x64xf32, #tpu.memory_space<vmem>>, %arg3: memref<1024x64xf32, #tpu.memory_space<vmem>>) attributes {dimension_semantics = [#tpu.dimension_semantics<arbitrary>], iteration_bounds = array<i64: 8>, scalar_prefetch = 0 : i64, scratch_operands = 0 : i64, tpu.core_type = #tpu.core_type<tc>, window_params = [{transform_indices = @transform_0, window_bounds = array<i64: 1024, 4096>}, {pipeline_mode = #tpu.pipeline_mode<synchronous>, transform_indices = @transform_1, window_bounds = array<i64: 4096, 64>}, {transform_indices = @transform_2, window_bounds = array<i64: 1024, 64>}]} {
    %get3A = arith.constant 0 : index
    %get3A_0 = arith.constant 0 : index
    %get3A_1 = vector.load %arg1[%get3A, %get3A_0] : memref<1024x4096xf32, #tpu.memory_space<vmem>>, vector<1024x4096xf32>
    %get3A_2 = arith.constant 0 : index
    %get3A_3 = arith.constant 0 : index
    %get3A_4 = vector.load %arg2[%get3A_2, %get3A_3] : memref<4096x64xf32, #tpu.memory_space<vmem>>, vector<4096x64xf32>
    %dot_general3A = arith.constant dense<0.000000e+00> : vector<1024x64xf32>
    %dot_general3A_5 = tpu.matmul %get3A_1, %get3A_4, %dot_general3A {dimension_numbers = #tpu.dot_dimension_numbers<[1], [0], [0], [1], [0, 0, 1, 1], [], []>, transpose_lhs_hint = false} : vector<1024x4096xf32>, vector<4096x64xf32>, vector<1024x64xf32> -> vector<1024x64xf32>
    %swap3A = arith.constant 0 : index
    %swap3A_6 = arith.constant 0 : index
    %swap3A_7 = vector.load %arg3[%swap3A, %swap3A_6] : memref<1024x64xf32, #tpu.memory_space<vmem>>, vector<1024x64xf32>
    tpu.vector_store %arg3[%swap3A, %swap3A_6], %dot_general3A_5 {strides = array<i32>} : memref<1024x64xf32, #tpu.memory_space<vmem>>, vector<1024x64xf32>,
    return
  }
  func.func @transform_0(%arg0: i32) -> (i32, i32) {
    %c0_i32 = arith.constant 0 : i32
    %c0_i32_0 = arith.constant 0 : i32
    return %arg0, %c0_i32 : i32, i32
  }
  func.func @transform_1(%arg0: i32) -> (i32, i32) {
    %c0_i32 = arith.constant 0 : i32
    %c0_i32_0 = arith.constant 0 : i32
    %c0_i32_1 = arith.constant 0 : i32
    return %c0_i32, %c0_i32_0 : i32, i32
  }
  func.func @transform_2(%arg0: i32) -> (i32, i32) {
    %c0_i32 = arith.constant 0 : i32
    %c0_i32_0 = arith.constant 0 : i32
    return %arg0, %c0_i32 : i32, i32
  }
}

</mosaic_0001>

<sc_bundles>
// kernel: kernel.10.cloned.1.call-start
scs
__scs_entry_jumppad:
0x0: {  	(pc) =	sbr.rel $0x88, $3  }
0x1: {  	(tag) =	ssettag $0x0;
	lr =	simm.s32 $0x1  }
0x2: {  	[smem:$0x3F9F] =	sst lr;
	_ =	strace $0xD0000000  }
0x3: {  	_ = 	snop  }
0x4: {  	_ = 	snop  }
0x5: {  	_ = 	snop  }
0x6: {  	_ = 	snop  }
0x7: {  	_ = 	snop  }
__scs_overlays_trampoline_lowered:
0x8: {  	[smem:$0x3FAE] =	sst s0  }
0x9: {  	[smem:$0x3FAF] =	sst s1  }
0xa: {  	[smem:$0x3FB0] =	sst s2  }
0xb: {  	[smem:$0x3FB1] =	sst s3  }
0xc: {  	[smem:$0x3FB2] =	sst s4  }
0xd: {  	[smem:$0x3FB3] =	sst s5  }
0xe: {  	[smem:$0x3FB4] =	sst s6  }
0xf: {  	[smem:$0x3FB5] =	sst s7  }
0x10: {  	[smem:$0x3FB6] =	sst s8  }
0x11: {  	[smem:$0x3FB7] =	sst s9;
	s0 =	simm.s32 @!p0 $0x0  }
0x12: {  	s1 =	sld [smem:$0x3F9D];
	s0 =	simm.s32 @p0 $0x1  }
0x13: {  	[smem:$0x3FB8] =	sst s0;
	s0 =	simm.s32 @!p1 $0x0  }
0x14: {  	s2 =	sld [smem:$0x3F9C];
	s0 =	simm.s32 @p1 $0x1  }
0x15: {  	[smem:$0x3FB9] =	sst s0;
	s0 =	simm.s32 @!p2 $0x0  }
0x16: {  	s3 =	sld [smem:$0x3FDB];
	s0 =	simm.s32 @p2 $0x1  }
0x17: {  	s4 =	simm.s32 $0x1BF5;
	[smem:$0x3FBB] =	sst s0  }
0x18: {  	s0 =	sld [smem:$0x3F9E];
	_ =	swait.ge [sflag:s4], $0x0  }
0x19: {  	s7 =	sld [smem:$0x3F9F]  }
0x1a: {  	s8 =	sadd.s32 $0xFFFFE003, lr  }
0x1b: {  	s9 =	sadd.s32 $0xFFFFFEF7, lr;
	s5 =	simm.s32 $0xFFFFFFFF;
	p2 =	slt.u32 s8, $0xFFFFF086  }
0x1c: {  	p1 =	slt.u32 s9, $0xF7A;
	s5 =	simm.s32 @!p2 $0x0  }
0x1d: {  	s5 =	simm.s32 @p1 $0x1;
	p0 =	seq.s32 s7, s2  }
0x1e: {  	s7 =	smul.u32 @!p0 $0xF7A, s2;
	p2 =	seq.s32 @!p0 s5, $0x0  }
0x1f: {  	s9 =	smul.u32 $0xF7A, s1;
	s8 =	simm.s32 @!p0 $0x1BF5;
	p2 =	por !p2, p0  }
0x20: {  	[sflag:s8] =	ssyncset.s32 @!p0 $0xFFFFF086;
	s6 =	sadd.s32 @!p0 s3, s7;
	s7 =	simm.s32 @!p0 $0x108  }
0x21: {  	s3 =	sadd.s32 s3, s9;
	s6 =	sadd.s32 @!p0 $0x88, s6;
	s7 =	simm.s32 @p2 $0x1082  }
0x22: {  	[simem:s7], [sflag:s8] =	dma.local @!p0 [hbm:s6], $0xF7A  }
0x23: {  	s9 =	sor.u32 $0xD0000000, s2;
	s6 =	simm.s32 $0x108;
	_ =	swait.ge @!p0 [sflag:s8], $0x0  }
0x24: {  	s3 =	sadd.s32 $0x88, s3;
	s6 =	simm.s32 @!p1 $0x1082;
	[sflag:s4] =	ssyncset.s32 $0xFFFFF086  }
0x25: {  	[simem:s6], [sflag:s4] =	dma.local [hbm:s3], $0xF7A  }
0x26: {  	[smem:$0x3F9F] =	sst s1;
	(tag) =	ssettag s2;
	_ =	strace s9  }
0x27: {  	s1 =	sld [smem:$0x3FAF]  }
0x28: {  	s2 =	sld [smem:$0x3FB0]  }
0x29: {  	s4 =	sld [smem:$0x3FB2]  }
0x2a: {  	p0 =	seq.s32 s5, $0x0;
	s5 =	sld [smem:$0x3FB3]  }
0x2b: {  	s6 =	sld [smem:$0x3FB4]  }
0x2c: {  	s7 =	sld [smem:$0x3FB5]  }
0x2d: {  	s3 =	simm.s32 $0x108;
	s8 =	sld [smem:$0x3FB6]  }
0x2e: {  	s3 =	simm.s32 @!p0 $0x1082;
	s9 =	sld [smem:$0x3FB7]  }
0x2f: {  	lr =	sadd.s32 s0, s3;
	s0 =	sld [smem:$0x3FAE]  }
0x30: {  	s3 =	sld [smem:$0x3FB1]  }
0x31: {  	[smem:$0x3FBA] =	sst s10  }
0x32: {  	s10 =	sld [smem:$0x3FB8];
	_ =	sdelay $0x3  }
0x33: {  	p0 =	seq.s32 s10, $0x1;
	s10 =	sld [smem:$0x3FBA];
	_ =	sdelay $0x3  }
0x34: {  	[smem:$0x3FBA] =	sst s10  }
0x35: {  	s10 =	sld [smem:$0x3FB9];
	_ =	sdelay $0x3  }
0x36: {  	p1 =	seq.s32 s10, $0x1;
	s10 =	sld [smem:$0x3FBA];
	_ =	sdelay $0x3  }
0x37: {  	[smem:$0x3FBA] =	sst s10  }
0x38: {  	s10 =	sld [smem:$0x3FBB]  }
0x39: {  	_ = 	snop;
	(pc) =	sbr.ind lr, $3  }
0x3a: {  	_ = 	snop  }
0x3b: {  	_ = 	snop  }
0x3c: {  	p2 =	seq.s32 s10, $0x1;
	s10 =	sld [smem:$0x3FBA]  }
0x3d: {  	_ =	shalt  }
0x3e: {  	_ =	shalt  }
0x3f: {  	_ =	shalt  }
0x40: {  	_ =	shalt  }
0x41: {  	_ =	shalt  }
0x42: {  	_ =	shalt  }
0x43: {  	_ =	shalt  }
0x44: {  	_ =	shalt  }
0x45: {  	_ =	shalt  }
0x46: {  	_ =	shalt  }
0x47: {  	_ =	shalt  }
0x48: {  	_ =	shalt  }
0x49: {  	_ =	shalt  }
0x4a: {  	_ =	shalt  }
0x4b: {  	_ =	shalt  }
0x4c: {  	_ =	shalt  }
0x4d: {  	_ =	shalt  }
0x4e: {  	_ =	shalt  }
0x4f: {  	_ =	shalt  }
0x50: {  	_ =	shalt  }
0x51: {  	_ =	shalt  }
0x52: {  	_ =	shalt  }
0x53: {  	_ =	shalt  }
0x54: {  	_ =	shalt  }
0x55: {  	_ =	shalt  }
0x56: {  	_ =	shalt  }
0x57: {  	_ =	shalt  }
0x58: {  	_ =	shalt  }
0x59: {  	_ =	shalt  }
0x5a: {  	_ =	shalt  }
0x5b: {  	_ =	shalt  }
0x5c: {  	_ =	shalt  }
0x5d: {  	_ =	shalt  }
0x5e: {  	_ =	shalt  }
0x5f: {  	_ =	shalt  }
0x60: {  	_ =	shalt  }
0x61: {  	_ =	shalt  }
0x62: {  	_ =	shalt  }
0x63: {  	_ =	shalt  }
0x64: {  	_ =	shalt  }
0x65: {  	_ =	shalt  }
0x66: {  	_ =	shalt  }
0x67: {  	_ =	shalt  }
0x68: {  	_ =	shalt  }
0x69: {  	_ =	shalt  }
0x6a: {  	_ =	shalt  }
0x6b: {  	_ =	shalt  }
0x6c: {  	_ =	shalt  }
0x6d: {  	_ =	shalt  }
0x6e: {  	_ =	shalt  }
0x6f: {  	_ =	shalt  }
0x70: {  	_ =	shalt  }
0x71: {  	_ =	shalt  }
0x72: {  	_ =	shalt  }
0x73: {  	_ =	shalt  }
0x74: {  	_ =	shalt  }
0x75: {  	_ =	shalt  }
0x76: {  	_ =	shalt  }
0x77: {  	_ =	shalt  }
0x78: {  	_ =	shalt  }
0x79: {  	_ =	shalt  }
0x7a: {  	_ =	shalt  }
0x7b: {  	_ =	shalt  }
0x7c: {  	_ =	shalt  }
0x7d: {  	_ =	shalt  }
0x7e: {  	_ =	shalt  }
0x7f: {  	_ =	shalt  }
0x80: {  	_ =	shalt  }
0x81: {  	_ =	shalt  }
0x82: {  	_ =	shalt  }
0x83: {  	_ =	shalt  }
0x84: {  	_ =	shalt  }
0x85: {  	_ =	shalt  }
0x86: {  	_ =	shalt  }
0x87: {  	_ =	shalt  }
.Lfunc_end0:
.L_simem_size_0:
called_computation_lowered:
.L_overlay_start_0:
0x88: {  	s2 =	sld [smem:$0x3FD9]  }
0x89: {  	s3 =	sld [smem:$0x3FFE];
	_ =	sdelay $0x1  }
0x8a: {  	s1 =	srdreg.scid  }
0x8b: {  	s0 =	sand.u32 $0x1, s1  }
0x8c: {  	s17 =	sshll.u32 s0, $0xA;
	s2 =	sadd.s32 s3, s2  }
0x8d: {  	s2 =	sadd.s32 s2, s17  }
0x8e: {  	[smem:$0x3FC6] =	sst s2  }
0x8f: {  	_ = 	snop  }
0x90: {  	(tm) =	ssettm $0x1  }
0x91: {  	s18 =	sld [smem:$0x3FFB];
	_ =	sdelay $0x3  }
0x92: {  	_ =	strace s18  }
0x93: {  	s2 =	sld [smem:$0x3FFC];
	_ =	sdelay $0x3  }
0x94: {  	_ =	strace s2  }
0x95: {  	s2 =	sld [smem:$0x3FFD];
	_ =	sdelay $0x3  }
0x96: {  	_ =	strace s2  }
0x97: {  	_ =	strace $0x8FFFFFFF  }
0x98: {  	s19 =	sld [smem:$0x3FDB];
	_ =	sdelay $0x1  }
0x99: {  	s20 =	simm.s32 $_scs_section_size  }
0x9a: {  	s4 =	simm.s32 $_size__tile_overlayer_lowered;
	s5 =	simm.s32 $_tile_overlayer_lowered  }
0x9b: {  	s6 =	simm.s32 $0x1BFF;
	s21 =	sshll.u32 s5, $0x1;
	s3 =	sadd.s32 s20, s19  }
0x9c: {  	s22 =	simm.s32 $0x0;
	s4 =	sshll.u32 s4, $0x1;
	s5 =	sadd.s32 s21, s3  }
0x9d: {  	[timem:s22], [sflag:s6] =	dma.local [hbm:s5], s4  }
0x9e: {  	_ =	swait.ge [sflag:s6], s4  }
0x9f: {  	s4 =	ssub.s32 $0x0, s4;
	[sflag:s6] =	ssyncset.done $0x0  }
0xa0: {  	[sflag:s6] =	ssyncadd.s32 s4;
	_ =	sdelay $0x1  }
0xa1: {  	s23 =	simm.s32 $0x1B8B  }
0xa2: {  	_ =	swait.ge [sflag:s23], $0x1  }
0xa3: {  	[sflag:s23] =	ssyncset.done $0x0  }
0xa4: {  	[sflag:s23] =	ssyncadd.s32 $0xFFFFFFFF  }
0xa5: {  	s4 =	sld [smem:$0x0]  }
0xa6: {  	s5 =	sand.u32 $0xFFFFFFFE, s1  }
0xa7: {  	p0 =	sne.s32 s1, s5  }
0xa8: {  	s5 =	sshll.u32 @p0 s5, $0xE  }
0xa9: {  	s5 =	sadd.s32 @p0 $0x11B8D, s5;
	s6 =	sshll.u32 @p0 s4, $0x11  }
0xaa: {  	s5 =	sor.u32 @p0 s6, s5  }
0xab: {  	[sflag:s5] =	ssyncadd.remote.s32 @p0 $0x1;
	_ =	sdelay $0x1  }
0xac: {  	s5 =	simm.s32 @p0 $0x1B8D  }
0xad: {  	_ =	swait.eq @p0 [sflag:s5], $0x1  }
0xae: {  	[sflag:s5] =	ssyncadd.s32 @p0 $0xFFFFFFFF  }
0xaf: {  	s6 =	sshll.u32 @!p0 s1, $0xE  }
0xb0: {  	s6 =	sor.u32 @!p0 $0x4000, s6;
	s5 =	simm.s32 @!p0 $0x1B8D  }
0xb1: {  	s4 =	sshll.u32 @!p0 s4, $0x11;
	s6 =	sadd.s32 @!p0 $0x11B8D, s6;
	_ =	swait.eq @!p0 [sflag:s5], $0x1  }
0xb2: {  	s4 =	sor.u32 @!p0 s4, s6;
	[sflag:s5] =	ssyncadd.s32 @!p0 $0xFFFFFFFF  }
0xb3: {  	s25 =	simm.s32 $0x1B8E;
	s24 =	sld [smem:$0x3FFE];
	[sflag:s4] =	ssyncadd.remote.s32 @!p0 $0x1  }
0xb4: {  	s26 =	simm.s32 $execute0_lowered;
	[smem:$0x3FD2] =	sst s25  }
0xb5: {  	s5 =	sshll.u32 s26, $0x1;
	_ =	strace $0x8000004F;
	[dreg:$0x1] =	wrdreg $0xFFFFFFFF  }
0xb6: {  	s28 =	simm.s32 $_size_execute0_lowered;
	s3 =	sadd.s32 s3, s5;
	[dreg:$0x0] =	wrdreg $0x0  }
0xb7: {  	s5 =	sshll.u32 s28, $0x1;
	[dreg:$0x2] =	wrdreg s3  }
0xb8: {  	[dreg:$0x3] =	wrdreg s5  }
0xb9: {  	[dreg:$0x4] =	wrdreg $0xC0  }
0xba: {  	_ =	task [dreg:s22], $0x5FFFF  }
0xbb: {  	[dreg:$0x1] =	wrdreg $0xFFFFFFFF  }
0xbc: {  	[dreg:$0x0] =	wrdreg $0x60  }
0xbd: {  	[dreg:$0x2] =	wrdreg s24  }
0xbe: {  	[dreg:$0x3] =	wrdreg $0x9  }
0xbf: {  	_ =	task.clear_ibuf [dreg:s22], $0x4FFFF;
	_ =	strace $0x9000004F  }
0xc0: {  	s29 =	simm.s32 $0x9;
	_ =	strace $0x80000051  }
0xc1: {  	_ =	swait.ge [sflag:s29], $0x1  }
0xc2: {  	[sflag:s29] =	ssyncadd.s32 $0xFFFFFFFF  }
0xc3: {  	_ =	strace $0x90000051  }
0xc4: {  	_ =	sfence  }
0xc5: {  	s30 =	sld [smem:$0x0];
	_ =	sdelay $0x2  }
0xc6: {  	s31 =	sshll.u32 s1, $0xD;
	s1 =	sshrl.u32 s1, $0x2  }
0xc7: {  	s4 =	sand.u32 $0x4000, s31;
	s1 =	sadd.s32 s1, s30  }
0xc8: {  	s0 =	sor.u32 s4, s0;
	s1 =	sshll.u32 s1, $0x11  }
0xc9: {  	s0 =	sor.u32 s1, s0  }
0xca: {  	s0 =	sadd.s32 $0x8F2B, s0  }
0xcb: {  	[sflag:s0] =	ssyncadd.remote.s32 $0x1  }
0xcc: {  	_ =	sfence.sel $0xFFFF  }
0xcd: {  	[dreg:$0x0] =	wrdreg $0xFFFFFFFF;
	(pc) =	sbr.abs _section_cstart, $3  }
0xce: {  	[dreg:$0x1] =	wrdreg $0xFFFFFFFF  }
0xcf: {  	_ =	task.clear_ibuf [dreg:s22], $0x2FFFF;
	_ =	strace $0x9FFFFFFF  }
0xd0: {  	(tm) =	ssettm $0x7FFFFFFF  }
0xd1: {  	_ =	shalt  }
tec
execute0_lowered:
.L_overlay_start_1:
0x0: {  	(tag) =	ssettag $0x1  }
0x1: {  	s3 =	rddreg [dreg:$0x0];
	s2 =	srdreg.scid  }
0x2: {  	s0 =	rddreg [dreg:$0x1];
	s1 =	stileid.u32;
	s7 =	simm.s32 $0x1  }
0x3: {  	s8 =	simm.s32 $0x8000;
	s9 =	simm.s32 $0x10000;
	s4 =	sand.u32 $0x1, s2  }
0x4: {  	s10 =	simm.s32 $0x0;
	s5 =	sshll.u32 s1, $0xD;
	s6 =	sshll.u32 s4, $0xC  }
0x5: {  	v0 =	vlaneseq.u32;
	s2 =	simm.s32 $0x0;
	s4 =	ssub.s32 $0x2, s4;
	s5 =	sor.u32 s6, s5  }
0x6: {  	v4 =	vmul.u32 $0xFFFFFFFF, v0;
	[smem:$0x7FF] =	sst s2;
	s30 =	sshrl.u32 s4, $0x1;
	s5 =	sadd.s32 s5, s3  }
0x7: {  	vm0 =	vmmov $0xff;
	v1 =	vor.u32 $0x10, v0;
	v2 =	vor.u32 $0x20, v0;
	_ =	strace $0x80000050;
	s31 =	ssub.s32 s4, s30;
	s3 =	sadd.s32 $0x102E00, s5  }
0x8: {  	v5 =	vimm.f32 $0.0e+00;
	v3 =	vor.u32 $0x30, v0;
	v4 =	vadd.s32 $0xF, v4;
	s4 =	sadd.s32 $0x122E00, s5;
	s5 =	sadd.s32 $0x142E00, s5;
	s6 =	smax.u32 s31, $0x1  }
.LBB2_1:
0x9: {  	[tilespmem:s2], [sflag:$0x1] =	stream.linear.gather [hbm4b:s3+s2], $0x8000, $0x38;
	[tilespmem:$0x18000] =	vst v63  }
0xa: {  	_ =	swait.ge [sflag:s7], $0x8000  }
0xb: {  	[sflag:s7] =	ssyncset.done $0x0  }
0xc: {  	s13 =	simm.s32 $0x20;
	[sflag:s7] =	ssyncadd.s32 $0xFFFF8000  }
0xd: {  	v7 =	vld [tilespmem:s13+$0x10]  }
0xe: {  	v6 =	vld [tilespmem:s13+$0x0]  }
0xf: {  	s11 =	simm.s32 $0x8020;
	s14 =	simm.s32 $0x1;
	s12 =	simm.s32 $0x0;
	v8 =	vld [tilespmem:s13+$0xFFFFFFF0]  }
.LBB2_2:
0x10: {  	p0 =	sne.s32 s14, $0xFF;
	v9 =	vld [tilespmem:s13+$0xFFFFFFE0];
	[tilespmem:s11+$0xFFFFFFF0] =	vst v5;
	_ =	sdelay $0x2  }
0x11: {  	(xrf1) =	vsort.dscd.msk.f32 $0xffff, v7, v3  }
0x12: {  	(xrf1) =	vsort.dscd.msk.f32 $0xffff, v8, v1  }
0x13: {  	(xrf1) =	vsort.dscd.msk.f32 $0xffff, v6, v2  }
0x14: {  	(xrf1) =	vsort.dscd.msk.f32 $0xffff, v9, v0;
	_ =	sdelay $0xa  }
0x15: {  	v6, v7, _ =	vpop (xrf1)  }
0x16: {  	v6 =	vperm.xlane v6, v4;
	v7 =	vperm.xlane v7, v4;
	v8, v9, _ =	vpop (xrf1)  }
0x17: {  	v8 =	vperm.xlane v8, v4;
	v10, v11, _ =	vpop (xrf1)  }
0x18: {  	v9 =	vperm.xlane v9, v4;
	v6 =	vsel vm0, v10, v6;
	v7 =	vsel vm0, v11, v7;
	v10, v11, _ =	vpop (xrf1)  }
0x19: {  	(xrf1) =	vsort.dscd.msk.f32 $0xffff, v6, v7  }
0x1a: {  	v6 =	vsel vm0, v10, v8;
	v7 =	vsel vm0, v11, v9  }
0x1b: {  	(xrf1) =	vsort.dscd.msk.f32 $0xffff, v6, v7;
	_ =	sdelay $0xb  }
0x1c: {  	v6, v7, _ =	vpop (xrf1)  }
0x1d: {  	v6 =	vperm.xlane v6, v4;
	v7 =	vperm.xlane v7, v4  }
0x1e: {  	v8, v9, _ =	vpop (xrf1)  }
0x1f: {  	v6 =	vsel vm0, v8, v6;
	v7 =	vsel vm0, v9, v7  }
0x20: {  	(xrf1) =	vsort.dscd.msk.f32 $0xffff, v6, v7;
	_ =	sdelay $0xd  }
0x21: {  	v6, v7, _ =	vpop (xrf1)  }
0x22: {  	v8 =	vand.u32 $0xFFFFFF80, v7;
	v9 =	vand.u32 $0x7F, v7;
	(xrf0) =	vmax.scan.msk.f32 $0xffff, v6;
	_ =	sdelay $0x5  }
0x23: {  	v10, _, _ =	vpop (xrf0)  }
0x24: {  	v10 =	vbroadcast v10, $0xF;
	_ =	sdelay $0x1  }
0x25: {  	v6 =	vsub.f32 v6, v10;
	_ =	sdelay $0x1  }
0x26: {  	v6 =	vmul.f32 $1.442695020e+00, v6;
	_ =	sdelay $0x1  }
0x27: {  	(erf) = vpow2.f32 v6;
	_ =	sdelay $0x8  }
0x28: {  	v6 =	vpop (erf)  }
0x29: {  	v10 =	vnsel vm0, $0x0, v6  }
0x2a: {  	(xrf2) =	vadd.scan.msk.f32 $0xffff, v10;
	_ =	sdelay $0x9  }
0x2b: {  	v10, _, _ =	vpop (xrf2)  }
0x2c: {  	v10 =	vbroadcast v10, $0xF;
	_ =	sdelay $0x1  }
0x2d: {  	(erf) = vrcp.f32 v10;
	_ =	sdelay $0x4  }
0x2e: {  	s15 =	sshll.u32 s12, $0x7;
	s12 =	smov.u32 s14  }
0x2f: {  	v8 =	vadd.s32 s15, v8  }
0x30: {  	v8 =	vor.u32 v9, v8  }
0x31: {  	v9 =	vor.u32 s15, v0  }
0x32: {  	[tilespmem:s11+$0xFFFFFFE0] =	vst v5;
	v10 =	vpop (erf)  }
0x33: {  	v6 =	vmul.f32 v10, v6;
	[tilespmem:s11+$0x0] =	vst v5  }
0x34: {  	[tilespmem:s11+$0x10] =	vst v5  }
.Ltmp0:
0x35: {  	[tilespmem:v8+s8+$0x0] =	vst.idx.msk $0xff, v6;
	(pc) =	sbr.rel @p0 .LBB2_2-.Ltmp0, $4  }
0x36: {  	s13 =	sadd.s32 $0x80, s13;
	[tilespmem:v9+s9+$0x0] =	vst.idx.msk $0xff, v7  }
0x37: {  	v7 =	vld [tilespmem:s13+$0x10]  }
0x38: {  	v6 =	vld [tilespmem:s13+$0x0]  }
0x39: {  	s14 =	sadd.s32 $0x1, s14;
	s11 =	sadd.s32 $0x80, s11;
	v8 =	vld [tilespmem:s13+$0xFFFFFFF0]  }
0x3a: {  	_ =	sdelay $0x1  }
0x3b: {  	v9 =	vld [tilespmem:s13+$0xFFFFFFE0]  }
0x3c: {  	(xrf1) =	vsort.dscd.msk.f32 $0xffff, v7, v3  }
0x3d: {  	(xrf1) =	vsort.dscd.msk.f32 $0xffff, v8, v1  }
0x3e: {  	(xrf1) =	vsort.dscd.msk.f32 $0xffff, v6, v2;
	_ =	sdelay $0x1  }
0x3f: {  	(xrf1) =	vsort.dscd.msk.f32 $0xffff, v9, v0;
	_ =	sdelay $0x9  }
0x40: {  	v6, v7, _ =	vpop (xrf1)  }
0x41: {  	v6 =	vperm.xlane v6, v4;
	v7 =	vperm.xlane v7, v4;
	v8, v53, _ =	vpop (xrf1)  }
0x42: {  	v8 =	vperm.xlane v8, v4;
	v10, v11, _ =	vpop (xrf1)  }
0x43: {  	v9 =	vperm.xlane v53, v4;
	v6 =	vsel vm0, v10, v6;
	v7 =	vsel vm0, v11, v7  }
0x44: {  	v54, v55, _ =	vpop (xrf1);
	(xrf1) =	vsort.dscd.msk.f32 $0xffff, v6, v7  }
0x45: {  	v6 =	vsel vm0, v54, v8;
	v7 =	vsel vm0, v55, v9  }
0x46: {  	(xrf1) =	vsort.dscd.msk.f32 $0xffff, v6, v7;
	_ =	sdelay $0xb  }
0x47: {  	v6, v7, _ =	vpop (xrf1)  }
0x48: {  	v6 =	vperm.xlane v6, v4;
	v7 =	vperm.xlane v7, v4  }
0x49: {  	v56, v57, _ =	vpop (xrf1)  }
0x4a: {  	v6 =	vsel vm0, v56, v6;
	v7 =	vsel vm0, v57, v7  }
0x4b: {  	(xrf1) =	vsort.dscd.msk.f32 $0xffff, v6, v7;
	_ =	sdelay $0xd  }
0x4c: {  	v6, v7, _ =	vpop (xrf1)  }
0x4d: {  	(xrf0) =	vmax.scan.msk.f32 $0xffff, v6;
	_ =	sdelay $0x5  }
0x4e: {  	v58, _, _ =	vpop (xrf0)  }
0x4f: {  	v8 =	vbroadcast v58, $0xF;
	_ =	sdelay $0x1  }
0x50: {  	v6 =	vsub.f32 v6, v8;
	_ =	sdelay $0x1  }
0x51: {  	v6 =	vmul.f32 $1.442695020e+00, v6;
	_ =	sdelay $0x1  }
0x52: {  	(erf) = vpow2.f32 v6;
	_ =	sdelay $0x8  }
0x53: {  	v6 =	vpop (erf)  }
0x54: {  	v59 =	vnsel vm0, $0x0, v6  }
0x55: {  	(xrf2) =	vadd.scan.msk.f32 $0xffff, v59;
	_ =	sdelay $0x9  }
0x56: {  	v8, _, _ =	vpop (xrf2)  }
0x57: {  	v8 =	vbroadcast v8, $0xF;
	_ =	sdelay $0x1  }
0x58: {  	(erf) = vrcp.f32 v8;
	_ =	sdelay $0x4  }
0x59: {  	s12 =	sshll.u32 s12, $0x7;
	v60 =	vand.u32 $0xFFFFFF80, v7  }
0x5a: {  	v61 =	vand.u32 $0x7F, v7;
	v8 =	vadd.s32 s12, v60  }
0x5b: {  	v8 =	vor.u32 v61, v8  }
0x5c: {  	[tilespmem:s11+$0xFFFFFFF0] =	vst v5;
	v62 =	vor.u32 s12, v0  }
0x5d: {  	[tilespmem:s11+$0xFFFFFFE0] =	vst v5;
	v63 =	vpop (erf)  }
0x5e: {  	[tilespmem:s11+$0x0] =	vst v5;
	v6 =	vmul.f32 v63, v6  }
0x5f: {  	[tilespmem:s11+$0x10] =	vst v5  }
0x60: {  	[tilespmem:v8+s8+$0x0] =	vst.idx.msk $0xff, v6  }
0x61: {  	[tilespmem:v62+s9+$0x0] =	vst.idx.msk $0xff, v7  }
0x62: {  	[hbm4b:s4+s2] =	stream.linear.scatter [tilespmem:s8], [sflag:$0x1], $0x8000, $0x38;
	[tilespmem:$0x18000] =	vst v63  }
0x63: {  	s10 =	sadd.s32 $0x1, s10;
	_ =	swait.ge [sflag:s7], $0x8000  }
0x64: {  	p0 =	sne.s32 s10, s6;
	[sflag:s7] =	ssyncset.done $0x0  }
.Ltmp1:
0x65: {  	[sflag:s7] =	ssyncadd.s32 $0xFFFF8000;
	(pc) =	sbr.rel @p0 .LBB2_1-.Ltmp1, $4  }
0x66: {  	[hbm4b:s5+s2] =	stream.linear.scatter [tilespmem:s9], [sflag:$0x1], $0x8000, $0x38;
	[tilespmem:$0x18000] =	vst v63  }
0x67: {  	_ =	swait.ge [sflag:s7], $0x8000  }
0x68: {  	[sflag:s7] =	ssyncset.done $0x0  }
0x69: {  	[sflag:s7] =	ssyncadd.s32 $0xFFFF8000  }
0x6a: {  	_ =	sfence.sel $0x180000  }
0x6b: {  	[bflag:$0x0] =	sbarrier.arrive $0xFFFF  }
0x6c: {  	p0 =	sne.s32 s1, $0x0;
	_ =	strace $0x90000050  }
0x6d: {  	s0 =	sadd.s32 @!p0 $0x100000, s0;
	[bflag:$0x2] =	sbarrier.arrive $0xFFFF  }
0x6e: {  	[sflag:s0] =	ssyncadd.tile.s32 @!p0 $0x1;
	_ =	shalt  }
.Lfunc_end2:
_tile_overlayer_lowered:
.L_overlay_start_2:
0x6f: {  	(tag) =	ssettag $0x2  }
0x70: {  	s0 =	rddreg [dreg:$0x0];
	s2 =	stileid.u32  }
0x71: {  	s1 =	rddreg [dreg:$0x1];
	p0 =	sne.s32 s2, $0x0  }
0x72: {  	s3 =	rddreg [dreg:$0x2];
	[bflag:$0x3] =	sbarrier.arrive $0xFFFF;
	s2 =	simm.s32 @!p0 $0x1C01  }
0x73: {  	[timem:s3], [sflag:s2] =	dma.local @!p0 [hbm:s0], s1  }
0x74: {  	s0 =	simm.s32 @!p0 $0x1  }
0x75: {  	_ =	swait.ge @!p0 [sflag:s0], s1  }
0x76: {  	s1 =	ssub.s32 @!p0 $0x0, s1;
	[sflag:s0] =	ssyncset.done @!p0 $0x0  }
0x77: {  	[sflag:s0] =	ssyncadd.s32 @!p0 s1  }
0x78: {  	[bflag:$0x3] =	sbarrier.arrive $0xFFFF  }
0x79: {  	_ =	shalt  }

// kernel: kernel.13.cloned.1.call-start
scs
__scs_entry_jumppad:
0x0: {  	(pc) =	sbr.rel $0x88, $3  }
0x1: {  	(tag) =	ssettag $0x0;
	lr =	simm.s32 $0x1  }
0x2: {  	[smem:$0x3F9F] =	sst lr;
	_ =	strace $0xD0000000  }
0x3: {  	_ = 	snop  }
0x4: {  	_ = 	snop  }
0x5: {  	_ = 	snop  }
0x6: {  	_ = 	snop  }
0x7: {  	_ = 	snop  }
__scs_overlays_trampoline_lowered:
0x8: {  	[smem:$0x3FAE] =	sst s0  }
0x9: {  	[smem:$0x3FAF] =	sst s1  }
0xa: {  	[smem:$0x3FB0] =	sst s2  }
0xb: {  	[smem:$0x3FB1] =	sst s3  }
0xc: {  	[smem:$0x3FB2] =	sst s4  }
0xd: {  	[smem:$0x3FB3] =	sst s5  }
0xe: {  	[smem:$0x3FB4] =	sst s6  }
0xf: {  	[smem:$0x3FB5] =	sst s7  }
0x10: {  	[smem:$0x3FB6] =	sst s8  }
0x11: {  	[smem:$0x3FB7] =	sst s9;
	s0 =	simm.s32 @!p0 $0x0  }
0x12: {  	s1 =	sld [smem:$0x3F9D];
	s0 =	simm.s32 @p0 $0x1  }
0x13: {  	[smem:$0x3FB8] =	sst s0;
	s0 =	simm.s32 @!p1 $0x0  }
0x14: {  	s2 =	sld [smem:$0x3F9C];
	s0 =	simm.s32 @p1 $0x1  }
0x15: {  	[smem:$0x3FB9] =	sst s0;
	s0 =	simm.s32 @!p2 $0x0  }
0x16: {  	s3 =	sld [smem:$0x3FDB];
	s0 =	simm.s32 @p2 $0x1  }
0x17: {  	s4 =	simm.s32 $0x1BF5;
	[smem:$0x3FBB] =	sst s0  }
0x18: {  	s0 =	sld [smem:$0x3F9E];
	_ =	swait.ge [sflag:s4], $0x0  }
0x19: {  	s7 =	sld [smem:$0x3F9F]  }
0x1a: {  	s8 =	sadd.s32 $0xFFFFE003, lr  }
0x1b: {  	s9 =	sadd.s32 $0xFFFFFEF7, lr;
	s5 =	simm.s32 $0xFFFFFFFF;
	p2 =	slt.u32 s8, $0xFFFFF086  }
0x1c: {  	p1 =	slt.u32 s9, $0xF7A;
	s5 =	simm.s32 @!p2 $0x0  }
0x1d: {  	s5 =	simm.s32 @p1 $0x1;
	p0 =	seq.s32 s7, s2  }
0x1e: {  	s7 =	smul.u32 @!p0 $0xF7A, s2;
	p2 =	seq.s32 @!p0 s5, $0x0  }
0x1f: {  	s9 =	smul.u32 $0xF7A, s1;
	s8 =	simm.s32 @!p0 $0x1BF5;
	p2 =	por !p2, p0  }
0x20: {  	[sflag:s8] =	ssyncset.s32 @!p0 $0xFFFFF086;
	s6 =	sadd.s32 @!p0 s3, s7;
	s7 =	simm.s32 @!p0 $0x108  }
0x21: {  	s3 =	sadd.s32 s3, s9;
	s6 =	sadd.s32 @!p0 $0x88, s6;
	s7 =	simm.s32 @p2 $0x1082  }
0x22: {  	[simem:s7], [sflag:s8] =	dma.local @!p0 [hbm:s6], $0xF7A  }
0x23: {  	s9 =	sor.u32 $0xD0000000, s2;
	s6 =	simm.s32 $0x108;
	_ =	swait.ge @!p0 [sflag:s8], $0x0  }
0x24: {  	s3 =	sadd.s32 $0x88, s3;
	s6 =	simm.s32 @!p1 $0x1082;
	[sflag:s4] =	ssyncset.s32 $0xFFFFF086  }
0x25: {  	[simem:s6], [sflag:s4] =	dma.local [hbm:s3], $0xF7A  }
0x26: {  	[smem:$0x3F9F] =	sst s1;
	(tag) =	ssettag s2;
	_ =	strace s9  }
0x27: {  	s1 =	sld [smem:$0x3FAF]  }
0x28: {  	s2 =	sld [smem:$0x3FB0]  }
0x29: {  	s4 =	sld [smem:$0x3FB2]  }
0x2a: {  	p0 =	seq.s32 s5, $0x0;
	s5 =	sld [smem:$0x3FB3]  }
0x2b: {  	s6 =	sld [smem:$0x3FB4]  }
0x2c: {  	s7 =	sld [smem:$0x3FB5]  }
0x2d: {  	s3 =	simm.s32 $0x108;
	s8 =	sld [smem:$0x3FB6]  }
0x2e: {  	s3 =	simm.s32 @!p0 $0x1082;
	s9 =	sld [smem:$0x3FB7]  }
0x2f: {  	lr =	sadd.s32 s0, s3;
	s0 =	sld [smem:$0x3FAE]  }
0x30: {  	s3 =	sld [smem:$0x3FB1]  }
0x31: {  	[smem:$0x3FBA] =	sst s10  }
0x32: {  	s10 =	sld [smem:$0x3FB8];
	_ =	sdelay $0x3  }
0x33: {  	p0 =	seq.s32 s10, $0x1;
	s10 =	sld [smem:$0x3FBA];
	_ =	sdelay $0x3  }
0x34: {  	[smem:$0x3FBA] =	sst s10  }
0x35: {  	s10 =	sld [smem:$0x3FB9];
	_ =	sdelay $0x3  }
0x36: {  	p1 =	seq.s32 s10, $0x1;
	s10 =	sld [smem:$0x3FBA];
	_ =	sdelay $0x3  }
0x37: {  	[smem:$0x3FBA] =	sst s10  }
0x38: {  	s10 =	sld [smem:$0x3FBB]  }
0x39: {  	_ = 	snop;
	(pc) =	sbr.ind lr, $3  }
0x3a: {  	_ = 	snop  }
0x3b: {  	_ = 	snop  }
0x3c: {  	p2 =	seq.s32 s10, $0x1;
	s10 =	sld [smem:$0x3FBA]  }
0x3d: {  	_ =	shalt  }
0x3e: {  	_ =	shalt  }
0x3f: {  	_ =	shalt  }
0x40: {  	_ =	shalt  }
0x41: {  	_ =	shalt  }
0x42: {  	_ =	shalt  }
0x43: {  	_ =	shalt  }
0x44: {  	_ =	shalt  }
0x45: {  	_ =	shalt  }
0x46: {  	_ =	shalt  }
0x47: {  	_ =	shalt  }
0x48: {  	_ =	shalt  }
0x49: {  	_ =	shalt  }
0x4a: {  	_ =	shalt  }
0x4b: {  	_ =	shalt  }
0x4c: {  	_ =	shalt  }
0x4d: {  	_ =	shalt  }
0x4e: {  	_ =	shalt  }
0x4f: {  	_ =	shalt  }
0x50: {  	_ =	shalt  }
0x51: {  	_ =	shalt  }
0x52: {  	_ =	shalt  }
0x53: {  	_ =	shalt  }
0x54: {  	_ =	shalt  }
0x55: {  	_ =	shalt  }
0x56: {  	_ =	shalt  }
0x57: {  	_ =	shalt  }
0x58: {  	_ =	shalt  }
0x59: {  	_ =	shalt  }
0x5a: {  	_ =	shalt  }
0x5b: {  	_ =	shalt  }
0x5c: {  	_ =	shalt  }
0x5d: {  	_ =	shalt  }
0x5e: {  	_ =	shalt  }
0x5f: {  	_ =	shalt  }
0x60: {  	_ =	shalt  }
0x61: {  	_ =	shalt  }
0x62: {  	_ =	shalt  }
0x63: {  	_ =	shalt  }
0x64: {  	_ =	shalt  }
0x65: {  	_ =	shalt  }
0x66: {  	_ =	shalt  }
0x67: {  	_ =	shalt  }
0x68: {  	_ =	shalt  }
0x69: {  	_ =	shalt  }
0x6a: {  	_ =	shalt  }
0x6b: {  	_ =	shalt  }
0x6c: {  	_ =	shalt  }
0x6d: {  	_ =	shalt  }
0x6e: {  	_ =	shalt  }
0x6f: {  	_ =	shalt  }
0x70: {  	_ =	shalt  }
0x71: {  	_ =	shalt  }
0x72: {  	_ =	shalt  }
0x73: {  	_ =	shalt  }
0x74: {  	_ =	shalt  }
0x75: {  	_ =	shalt  }
0x76: {  	_ =	shalt  }
0x77: {  	_ =	shalt  }
0x78: {  	_ =	shalt  }
0x79: {  	_ =	shalt  }
0x7a: {  	_ =	shalt  }
0x7b: {  	_ =	shalt  }
0x7c: {  	_ =	shalt  }
0x7d: {  	_ =	shalt  }
0x7e: {  	_ =	shalt  }
0x7f: {  	_ =	shalt  }
0x80: {  	_ =	shalt  }
0x81: {  	_ =	shalt  }
0x82: {  	_ =	shalt  }
0x83: {  	_ =	shalt  }
0x84: {  	_ =	shalt  }
0x85: {  	_ =	shalt  }
0x86: {  	_ =	shalt  }
0x87: {  	_ =	shalt  }
.Lfunc_end0:
.L_simem_size_0:
called_computation.1_lowered:
.L_overlay_start_0:
0x88: {  	s2 =	sld [smem:$0x3FD9]  }
0x89: {  	s3 =	sld [smem:$0x3FFE];
	_ =	sdelay $0x1  }
0x8a: {  	s1 =	srdreg.scid  }
0x8b: {  	s0 =	sand.u32 $0x1, s1  }
0x8c: {  	s16 =	sshll.u32 s0, $0xA;
	s2 =	sadd.s32 s3, s2  }
0x8d: {  	s2 =	sadd.s32 s2, s16  }
0x8e: {  	[smem:$0x3FC6] =	sst s2  }
0x8f: {  	_ = 	snop  }
0x90: {  	(tm) =	ssettm $0x1  }
0x91: {  	s17 =	sld [smem:$0x3FFB];
	_ =	sdelay $0x3  }
0x92: {  	_ =	strace s17  }
0x93: {  	s2 =	sld [smem:$0x3FFC];
	_ =	sdelay $0x3  }
0x94: {  	_ =	strace s2  }
0x95: {  	s2 =	sld [smem:$0x3FFD];
	_ =	sdelay $0x3  }
0x96: {  	_ =	strace s2  }
0x97: {  	_ =	strace $0x8FFFFFFF  }
0x98: {  	s18 =	sld [smem:$0x3FDB];
	_ =	sdelay $0x1  }
0x99: {  	s19 =	simm.s32 $_scs_section_size  }
0x9a: {  	s4 =	simm.s32 $_size__tile_overlayer_lowered;
	s5 =	simm.s32 $_tile_overlayer_lowered  }
0x9b: {  	s22 =	simm.s32 $0x1BFF;
	s21 =	sshll.u32 s5, $0x1;
	s2 =	sadd.s32 s19, s18  }
0x9c: {  	s6 =	simm.s32 $0x0;
	s20 =	sshll.u32 s4, $0x1;
	s4 =	sadd.s32 s21, s2  }
0x9d: {  	[timem:s6], [sflag:s22] =	dma.local [hbm:s4], s20  }
0x9e: {  	_ =	swait.ge [sflag:s22], s20  }
0x9f: {  	s3 =	ssub.s32 $0x0, s20;
	[sflag:s22] =	ssyncset.done $0x0  }
0xa0: {  	[sflag:s22] =	ssyncadd.s32 s3;
	_ =	sdelay $0x1  }
0xa1: {  	s23 =	simm.s32 $0x1B8B  }
0xa2: {  	_ =	swait.ge [sflag:s23], $0x1  }
0xa3: {  	[sflag:s23] =	ssyncset.done $0x0  }
0xa4: {  	s25 =	simm.s32 $0x1B8E;
	s24 =	sld [smem:$0x3FFE];
	[sflag:s23] =	ssyncadd.s32 $0xFFFFFFFF  }
0xa5: {  	s26 =	simm.s32 $execute0_lowered;
	[smem:$0x3FD2] =	sst s25  }
0xa6: {  	s4 =	sshll.u32 s26, $0x1;
	_ =	strace $0x80000046;
	[dreg:$0x1] =	wrdreg $0xFFFFFFFF  }
0xa7: {  	s28 =	simm.s32 $_size_execute0_lowered;
	s2 =	sadd.s32 s2, s4;
	[dreg:$0x0] =	wrdreg $0x0  }
0xa8: {  	s4 =	sshll.u32 s28, $0x1;
	[dreg:$0x2] =	wrdreg s2  }
0xa9: {  	[dreg:$0x3] =	wrdreg s4  }
0xaa: {  	[dreg:$0x4] =	wrdreg $0xC0  }
0xab: {  	_ =	task [dreg:s6], $0x5FFFF  }
0xac: {  	[dreg:$0x1] =	wrdreg $0xFFFFFFFF  }
0xad: {  	[dreg:$0x0] =	wrdreg $0x60  }
0xae: {  	[dreg:$0x2] =	wrdreg s24  }
0xaf: {  	[dreg:$0x3] =	wrdreg $0xA  }
0xb0: {  	_ =	task.clear_ibuf [dreg:s6], $0x4FFFF;
	_ =	strace $0x90000046  }
0xb1: {  	s29 =	simm.s32 $0xA;
	_ =	strace $0x80000048  }
0xb2: {  	_ =	swait.ge [sflag:s29], $0x1  }
0xb3: {  	[sflag:s29] =	ssyncadd.s32 $0xFFFFFFFF  }
0xb4: {  	_ =	strace $0x90000048  }
0xb5: {  	_ =	sfence  }
0xb6: {  	s30 =	sld [smem:$0x0];
	_ =	sdelay $0x2  }
0xb7: {  	s31 =	sshll.u32 s1, $0xD;
	s1 =	sshrl.u32 s1, $0x2  }
0xb8: {  	s3 =	sand.u32 $0x4000, s31;
	s1 =	sadd.s32 s1, s30  }
0xb9: {  	s0 =	sor.u32 s3, s0;
	s1 =	sshll.u32 s1, $0x11  }
0xba: {  	s0 =	sor.u32 s1, s0  }
0xbb: {  	s0 =	sadd.s32 $0x8F2B, s0  }
0xbc: {  	[sflag:s0] =	ssyncadd.remote.s32 $0x1  }
0xbd: {  	_ =	sfence.sel $0xFFFF  }
0xbe: {  	[dreg:$0x0] =	wrdreg $0xFFFFFFFF;
	(pc) =	sbr.abs _section_cstart, $3  }
0xbf: {  	[dreg:$0x1] =	wrdreg $0xFFFFFFFF  }
0xc0: {  	_ =	task.clear_ibuf [dreg:s6], $0x2FFFF;
	_ =	strace $0x9FFFFFFF  }
0xc1: {  	(tm) =	ssettm $0x7FFFFFFF  }
tec
execute0_lowered:
.L_overlay_start_1:
0x0: {  	(tag) =	ssettag $0x1  }
0x1: {  	s3 =	rddreg [dreg:$0x0];
	s2 =	srdreg.scid  }
0x2: {  	s0 =	rddreg [dreg:$0x1];
	s1 =	stileid.u32;
	s7 =	simm.s32 $0x1  }
0x3: {  	s8 =	simm.s32 $0x8000;
	s9 =	simm.s32 $0x10000;
	s4 =	sand.u32 $0x1, s2  }
0x4: {  	s10 =	simm.s32 $0x0;
	s5 =	sshll.u32 s1, $0xD;
	s6 =	sshll.u32 s4, $0xC  }
0x5: {  	v0 =	vlaneseq.u32;
	s2 =	simm.s32 $0x0;
	s4 =	ssub.s32 $0x2, s4;
	s5 =	sor.u32 s6, s5  }
0x6: {  	v4 =	vmul.u32 $0xFFFFFFFF, v0;
	[smem:$0x7FF] =	sst s2;
	s30 =	sshrl.u32 s4, $0x1;
	s5 =	sadd.s32 s5, s3  }
0x7: {  	vm0 =	vmmov $0xff;
	v5 =	vimm.f32 $0.0e+00;
	v1 =	vor.u32 $0x10, v0;
	_ =	strace $0x80000047;
	s31 =	ssub.s32 s4, s30;
	s3 =	sadd.s32 $0x2E00, s5  }
0x8: {  	v2 =	vor.u32 $0x20, v0;
	v3 =	vor.u32 $0x30, v0;
	v4 =	vadd.s32 $0xF, v4;
	s4 =	sadd.s32 $0x42E00, s5;
	s5 =	sadd.s32 $0x22E00, s5;
	s6 =	smax.u32 s31, $0x1  }
.LBB2_1:
0x9: {  	[tilespmem:s2], [sflag:$0x1] =	stream.linear.gather [hbm4b:s3+s2], $0x8000, $0x38;
	[tilespmem:$0x18000] =	vst v63  }
0xa: {  	_ =	swait.ge [sflag:s7], $0x8000  }
0xb: {  	[sflag:s7] =	ssyncset.done $0x0  }
0xc: {  	s13 =	simm.s32 $0x20;
	[sflag:s7] =	ssyncadd.s32 $0xFFFF8000  }
0xd: {  	v7 =	vld [tilespmem:s13+$0x10]  }
0xe: {  	v6 =	vld [tilespmem:s13+$0x0]  }
0xf: {  	s11 =	simm.s32 $0x8020;
	s14 =	simm.s32 $0x1;
	s12 =	simm.s32 $0x0;
	v8 =	vld [tilespmem:s13+$0xFFFFFFF0]  }
.LBB2_2:
0x10: {  	p0 =	sne.s32 s14, $0xFF;
	v9 =	vld [tilespmem:s13+$0xFFFFFFE0];
	[tilespmem:s11+$0xFFFFFFF0] =	vst v5;
	_ =	sdelay $0x2  }
0x11: {  	(xrf1) =	vsort.dscd.msk.f32 $0xffff, v7, v3  }
0x12: {  	(xrf1) =	vsort.dscd.msk.f32 $0xffff, v8, v1  }
0x13: {  	(xrf1) =	vsort.dscd.msk.f32 $0xffff, v6, v2  }
0x14: {  	(xrf1) =	vsort.dscd.msk.f32 $0xffff, v9, v0;
	_ =	sdelay $0xa  }
0x15: {  	v6, v7, _ =	vpop (xrf1)  }
0x16: {  	v6 =	vperm.xlane v6, v4;
	v7 =	vperm.xlane v7, v4;
	v8, v9, _ =	vpop (xrf1)  }
0x17: {  	v8 =	vperm.xlane v8, v4;
	v10, v11, _ =	vpop (xrf1)  }
0x18: {  	v9 =	vperm.xlane v9, v4;
	v6 =	vsel vm0, v10, v6;
	v7 =	vsel vm0, v11, v7;
	v10, v11, _ =	vpop (xrf1)  }
0x19: {  	(xrf1) =	vsort.dscd.msk.f32 $0xffff, v6, v7  }
0x1a: {  	v6 =	vsel vm0, v10, v8;
	v7 =	vsel vm0, v11, v9  }
0x1b: {  	(xrf1) =	vsort.dscd.msk.f32 $0xffff, v6, v7;
	_ =	sdelay $0xb  }
0x1c: {  	v6, v7, _ =	vpop (xrf1)  }
0x1d: {  	v6 =	vperm.xlane v6, v4;
	v7 =	vperm.xlane v7, v4  }
0x1e: {  	v8, v9, _ =	vpop (xrf1)  }
0x1f: {  	v6 =	vsel vm0, v8, v6;
	v7 =	vsel vm0, v9, v7  }
0x20: {  	(xrf1) =	vsort.dscd.msk.f32 $0xffff, v6, v7;
	_ =	sdelay $0xd  }
0x21: {  	v6, v7, _ =	vpop (xrf1)  }
0x22: {  	v8 =	vand.u32 $0xFFFFFF80, v7;
	v9 =	vand.u32 $0x7F, v7;
	(xrf0) =	vmax.scan.msk.f32 $0xffff, v6;
	_ =	sdelay $0x5  }
0x23: {  	v10, _, _ =	vpop (xrf0)  }
0x24: {  	v10 =	vbroadcast v10, $0xF;
	_ =	sdelay $0x1  }
0x25: {  	v6 =	vsub.f32 v6, v10;
	_ =	sdelay $0x1  }
0x26: {  	v6 =	vmul.f32 $1.442695020e+00, v6;
	_ =	sdelay $0x1  }
0x27: {  	(erf) = vpow2.f32 v6;
	_ =	sdelay $0x8  }
0x28: {  	v6 =	vpop (erf)  }
0x29: {  	v10 =	vnsel vm0, $0x0, v6  }
0x2a: {  	(xrf2) =	vadd.scan.msk.f32 $0xffff, v10;
	_ =	sdelay $0x9  }
0x2b: {  	v10, _, _ =	vpop (xrf2)  }
0x2c: {  	v10 =	vbroadcast v10, $0xF;
	_ =	sdelay $0x1  }
0x2d: {  	(erf) = vrcp.f32 v10;
	_ =	sdelay $0x4  }
0x2e: {  	s15 =	sshll.u32 s12, $0x7;
	s12 =	smov.u32 s14  }
0x2f: {  	v8 =	vadd.s32 s15, v8  }
0x30: {  	v8 =	vor.u32 v9, v8  }
0x31: {  	v9 =	vor.u32 s15, v0  }
0x32: {  	[tilespmem:s11+$0xFFFFFFE0] =	vst v5;
	v10 =	vpop (erf)  }
0x33: {  	v6 =	vmul.f32 v10, v6;
	[tilespmem:s11+$0x0] =	vst v5  }
0x34: {  	[tilespmem:s11+$0x10] =	vst v5  }
.Ltmp0:
0x35: {  	[tilespmem:v8+s8+$0x0] =	vst.idx.msk $0xff, v6;
	(pc) =	sbr.rel @p0 .LBB2_2-.Ltmp0, $4  }
0x36: {  	s13 =	sadd.s32 $0x80, s13;
	[tilespmem:v9+s9+$0x0] =	vst.idx.msk $0xff, v7  }
0x37: {  	v7 =	vld [tilespmem:s13+$0x10]  }
0x38: {  	v6 =	vld [tilespmem:s13+$0x0]  }
0x39: {  	s14 =	sadd.s32 $0x1, s14;
	s11 =	sadd.s32 $0x80, s11;
	v8 =	vld [tilespmem:s13+$0xFFFFFFF0]  }
0x3a: {  	_ =	sdelay $0x1  }
0x3b: {  	v9 =	vld [tilespmem:s13+$0xFFFFFFE0]  }
0x3c: {  	(xrf1) =	vsort.dscd.msk.f32 $0xffff, v7, v3  }
0x3d: {  	(xrf1) =	vsort.dscd.msk.f32 $0xffff, v8, v1  }
0x3e: {  	(xrf1) =	vsort.dscd.msk.f32 $0xffff, v6, v2;
	_ =	sdelay $0x1  }
0x3f: {  	(xrf1) =	vsort.dscd.msk.f32 $0xffff, v9, v0;
	_ =	sdelay $0x9  }
0x40: {  	v6, v7, _ =	vpop (xrf1)  }
0x41: {  	v6 =	vperm.xlane v6, v4;
	v7 =	vperm.xlane v7, v4;
	v8, v53, _ =	vpop (xrf1)  }
0x42: {  	v8 =	vperm.xlane v8, v4;
	v10, v11, _ =	vpop (xrf1)  }
0x43: {  	v9 =	vperm.xlane v53, v4;
	v6 =	vsel vm0, v10, v6;
	v7 =	vsel vm0, v11, v7  }
0x44: {  	v54, v55, _ =	vpop (xrf1);
	(xrf1) =	vsort.dscd.msk.f32 $0xffff, v6, v7  }
0x45: {  	v6 =	vsel vm0, v54, v8;
	v7 =	vsel vm0, v55, v9  }
0x46: {  	(xrf1) =	vsort.dscd.msk.f32 $0xffff, v6, v7;
	_ =	sdelay $0xb  }
0x47: {  	v6, v7, _ =	vpop (xrf1)  }
0x48: {  	v6 =	vperm.xlane v6, v4;
	v7 =	vperm.xlane v7, v4  }
0x49: {  	v56, v57, _ =	vpop (xrf1)  }
0x4a: {  	v6 =	vsel vm0, v56, v6;
	v7 =	vsel vm0, v57, v7  }
0x4b: {  	(xrf1) =	vsort.dscd.msk.f32 $0xffff, v6, v7;
	_ =	sdelay $0xd  }
0x4c: {  	v6, v7, _ =	vpop (xrf1)  }
0x4d: {  	(xrf0) =	vmax.scan.msk.f32 $0xffff, v6;
	_ =	sdelay $0x5  }
0x4e: {  	v58, _, _ =	vpop (xrf0)  }
0x4f: {  	v8 =	vbroadcast v58, $0xF;
	_ =	sdelay $0x1  }
0x50: {  	v6 =	vsub.f32 v6, v8;
	_ =	sdelay $0x1  }
0x51: {  	v6 =	vmul.f32 $1.442695020e+00, v6;
	_ =	sdelay $0x1  }
0x52: {  	(erf) = vpow2.f32 v6;
	_ =	sdelay $0x8  }
0x53: {  	v6 =	vpop (erf)  }
0x54: {  	v59 =	vnsel vm0, $0x0, v6  }
0x55: {  	(xrf2) =	vadd.scan.msk.f32 $0xffff, v59;
	_ =	sdelay $0x9  }
0x56: {  	v8, _, _ =	vpop (xrf2)  }
0x57: {  	v8 =	vbroadcast v8, $0xF;
	_ =	sdelay $0x1  }
0x58: {  	(erf) = vrcp.f32 v8;
	_ =	sdelay $0x4  }
0x59: {  	s12 =	sshll.u32 s12, $0x7;
	v60 =	vand.u32 $0xFFFFFF80, v7  }
0x5a: {  	v61 =	vand.u32 $0x7F, v7;
	v8 =	vadd.s32 s12, v60  }
0x5b: {  	v8 =	vor.u32 v61, v8  }
0x5c: {  	[tilespmem:s11+$0xFFFFFFF0] =	vst v5;
	v62 =	vor.u32 s12, v0  }
0x5d: {  	[tilespmem:s11+$0xFFFFFFE0] =	vst v5;
	v63 =	vpop (erf)  }
0x5e: {  	[tilespmem:s11+$0x0] =	vst v5;
	v6 =	vmul.f32 v63, v6  }
0x5f: {  	[tilespmem:s11+$0x10] =	vst v5  }
0x60: {  	[tilespmem:v8+s8+$0x0] =	vst.idx.msk $0xff, v6  }
0x61: {  	[tilespmem:v62+s9+$0x0] =	vst.idx.msk $0xff, v7  }
0x62: {  	[hbm4b:s4+s2] =	stream.linear.scatter [tilespmem:s8], [sflag:$0x1], $0x8000, $0x38;
	[tilespmem:$0x18000] =	vst v63  }
0x63: {  	s10 =	sadd.s32 $0x1, s10;
	_ =	swait.ge [sflag:s7], $0x8000  }
0x64: {  	p0 =	sne.s32 s10, s6;
	[sflag:s7] =	ssyncset.done $0x0  }
.Ltmp1:
0x65: {  	[sflag:s7] =	ssyncadd.s32 $0xFFFF8000;
	(pc) =	sbr.rel @p0 .LBB2_1-.Ltmp1, $4  }
0x66: {  	[hbm4b:s5+s2] =	stream.linear.scatter [tilespmem:s9], [sflag:$0x1], $0x8000, $0x38;
	[tilespmem:$0x18000] =	vst v63  }
0x67: {  	_ =	swait.ge [sflag:s7], $0x8000  }
0x68: {  	[sflag:s7] =	ssyncset.done $0x0  }
0x69: {  	[sflag:s7] =	ssyncadd.s32 $0xFFFF8000  }
0x6a: {  	_ =	sfence.sel $0x180000  }
0x6b: {  	[bflag:$0x0] =	sbarrier.arrive $0xFFFF  }
0x6c: {  	p0 =	sne.s32 s1, $0x0;
	_ =	strace $0x90000047  }
0x6d: {  	s0 =	sadd.s32 @!p0 $0x100000, s0;
	[bflag:$0x2] =	sbarrier.arrive $0xFFFF  }
0x6e: {  	[sflag:s0] =	ssyncadd.tile.s32 @!p0 $0x1;
	_ =	shalt  }
.Lfunc_end2:
_tile_overlayer_lowered:
.L_overlay_start_2:
0x6f: {  	(tag) =	ssettag $0x2  }
0x70: {  	s0 =	rddreg [dreg:$0x0];
	s2 =	stileid.u32  }
0x71: {  	s1 =	rddreg [dreg:$0x1];
	p0 =	sne.s32 s2, $0x0  }
0x72: {  	s3 =	rddreg [dreg:$0x2];
	[bflag:$0x3] =	sbarrier.arrive $0xFFFF;
	s2 =	simm.s32 @!p0 $0x1C01  }
0x73: {  	[timem:s3], [sflag:s2] =	dma.local @!p0 [hbm:s0], s1  }
0x74: {  	s0 =	simm.s32 @!p0 $0x1  }
0x75: {  	_ =	swait.ge @!p0 [sflag:s0], s1  }
0x76: {  	s1 =	ssub.s32 @!p0 $0x0, s1;
	[sflag:s0] =	ssyncset.done @!p0 $0x0  }
0x77: {  	[sflag:s0] =	ssyncadd.s32 @!p0 s1  }
0x78: {  	[bflag:$0x3] =	sbarrier.arrive $0xFFFF  }
0x79: {  	_ =	shalt  }

// kernel: kernel.16.cloned.1.call-start
scs
__scs_entry_jumppad:
0x0: {  	(pc) =	sbr.rel $0x88, $3  }
0x1: {  	(tag) =	ssettag $0x0;
	lr =	simm.s32 $0x1  }
0x2: {  	[smem:$0x3F9F] =	sst lr;
	_ =	strace $0xD0000000  }
0x3: {  	_ = 	snop  }
0x4: {  	_ = 	snop  }
0x5: {  	_ = 	snop  }
0x6: {  	_ = 	snop  }
0x7: {  	_ = 	snop  }
__scs_overlays_trampoline_lowered:
0x8: {  	[smem:$0x3FAE] =	sst s0  }
0x9: {  	[smem:$0x3FAF] =	sst s1  }
0xa: {  	[smem:$0x3FB0] =	sst s2  }
0xb: {  	[smem:$0x3FB1] =	sst s3  }
0xc: {  	[smem:$0x3FB2] =	sst s4  }
0xd: {  	[smem:$0x3FB3] =	sst s5  }
0xe: {  	[smem:$0x3FB4] =	sst s6  }
0xf: {  	[smem:$0x3FB5] =	sst s7  }
0x10: {  	[smem:$0x3FB6] =	sst s8  }
0x11: {  	[smem:$0x3FB7] =	sst s9;
	s0 =	simm.s32 @!p0 $0x0  }
0x12: {  	s1 =	sld [smem:$0x3F9D];
	s0 =	simm.s32 @p0 $0x1  }
0x13: {  	[smem:$0x3FB8] =	sst s0;
	s0 =	simm.s32 @!p1 $0x0  }
0x14: {  	s2 =	sld [smem:$0x3F9C];
	s0 =	simm.s32 @p1 $0x1  }
0x15: {  	[smem:$0x3FB9] =	sst s0;
	s0 =	simm.s32 @!p2 $0x0  }
0x16: {  	s3 =	sld [smem:$0x3FDB];
	s0 =	simm.s32 @p2 $0x1  }
0x17: {  	s4 =	simm.s32 $0x1BF5;
	[smem:$0x3FBB] =	sst s0  }
0x18: {  	s0 =	sld [smem:$0x3F9E];
	_ =	swait.ge [sflag:s4], $0x0  }
0x19: {  	s7 =	sld [smem:$0x3F9F]  }
0x1a: {  	s8 =	sadd.s32 $0xFFFFE003, lr  }
0x1b: {  	s9 =	sadd.s32 $0xFFFFFEF7, lr;
	s5 =	simm.s32 $0xFFFFFFFF;
	p2 =	slt.u32 s8, $0xFFFFF086  }
0x1c: {  	p1 =	slt.u32 s9, $0xF7A;
	s5 =	simm.s32 @!p2 $0x0  }
0x1d: {  	s5 =	simm.s32 @p1 $0x1;
	p0 =	seq.s32 s7, s2  }
0x1e: {  	s7 =	smul.u32 @!p0 $0xF7A, s2;
	p2 =	seq.s32 @!p0 s5, $0x0  }
0x1f: {  	s9 =	smul.u32 $0xF7A, s1;
	s8 =	simm.s32 @!p0 $0x1BF5;
	p2 =	por !p2, p0  }
0x20: {  	[sflag:s8] =	ssyncset.s32 @!p0 $0xFFFFF086;
	s6 =	sadd.s32 @!p0 s3, s7;
	s7 =	simm.s32 @!p0 $0x108  }
0x21: {  	s3 =	sadd.s32 s3, s9;
	s6 =	sadd.s32 @!p0 $0x88, s6;
	s7 =	simm.s32 @p2 $0x1082  }
0x22: {  	[simem:s7], [sflag:s8] =	dma.local @!p0 [hbm:s6], $0xF7A  }
0x23: {  	s9 =	sor.u32 $0xD0000000, s2;
	s6 =	simm.s32 $0x108;
	_ =	swait.ge @!p0 [sflag:s8], $0x0  }
0x24: {  	s3 =	sadd.s32 $0x88, s3;
	s6 =	simm.s32 @!p1 $0x1082;
	[sflag:s4] =	ssyncset.s32 $0xFFFFF086  }
0x25: {  	[simem:s6], [sflag:s4] =	dma.local [hbm:s3], $0xF7A  }
0x26: {  	[smem:$0x3F9F] =	sst s1;
	(tag) =	ssettag s2;
	_ =	strace s9  }
0x27: {  	s1 =	sld [smem:$0x3FAF]  }
0x28: {  	s2 =	sld [smem:$0x3FB0]  }
0x29: {  	s4 =	sld [smem:$0x3FB2]  }
0x2a: {  	p0 =	seq.s32 s5, $0x0;
	s5 =	sld [smem:$0x3FB3]  }
0x2b: {  	s6 =	sld [smem:$0x3FB4]  }
0x2c: {  	s7 =	sld [smem:$0x3FB5]  }
0x2d: {  	s3 =	simm.s32 $0x108;
	s8 =	sld [smem:$0x3FB6]  }
0x2e: {  	s3 =	simm.s32 @!p0 $0x1082;
	s9 =	sld [smem:$0x3FB7]  }
0x2f: {  	lr =	sadd.s32 s0, s3;
	s0 =	sld [smem:$0x3FAE]  }
0x30: {  	s3 =	sld [smem:$0x3FB1]  }
0x31: {  	[smem:$0x3FBA] =	sst s10  }
0x32: {  	s10 =	sld [smem:$0x3FB8];
	_ =	sdelay $0x3  }
0x33: {  	p0 =	seq.s32 s10, $0x1;
	s10 =	sld [smem:$0x3FBA];
	_ =	sdelay $0x3  }
0x34: {  	[smem:$0x3FBA] =	sst s10  }
0x35: {  	s10 =	sld [smem:$0x3FB9];
	_ =	sdelay $0x3  }
0x36: {  	p1 =	seq.s32 s10, $0x1;
	s10 =	sld [smem:$0x3FBA];
	_ =	sdelay $0x3  }
0x37: {  	[smem:$0x3FBA] =	sst s10  }
0x38: {  	s10 =	sld [smem:$0x3FBB]  }
0x39: {  	_ = 	snop;
	(pc) =	sbr.ind lr, $3  }
0x3a: {  	_ = 	snop  }
0x3b: {  	_ = 	snop  }
0x3c: {  	p2 =	seq.s32 s10, $0x1;
	s10 =	sld [smem:$0x3FBA]  }
0x3d: {  	_ =	shalt  }
0x3e: {  	_ =	shalt  }
0x3f: {  	_ =	shalt  }
0x40: {  	_ =	shalt  }
0x41: {  	_ =	shalt  }
0x42: {  	_ =	shalt  }
0x43: {  	_ =	shalt  }
0x44: {  	_ =	shalt  }
0x45: {  	_ =	shalt  }
0x46: {  	_ =	shalt  }
0x47: {  	_ =	shalt  }
0x48: {  	_ =	shalt  }
0x49: {  	_ =	shalt  }
0x4a: {  	_ =	shalt  }
0x4b: {  	_ =	shalt  }
0x4c: {  	_ =	shalt  }
0x4d: {  	_ =	shalt  }
0x4e: {  	_ =	shalt  }
0x4f: {  	_ =	shalt  }
0x50: {  	_ =	shalt  }
0x51: {  	_ =	shalt  }
0x52: {  	_ =	shalt  }
0x53: {  	_ =	shalt  }
0x54: {  	_ =	shalt  }
0x55: {  	_ =	shalt  }
0x56: {  	_ =	shalt  }
0x57: {  	_ =	shalt  }
0x58: {  	_ =	shalt  }
0x59: {  	_ =	shalt  }
0x5a: {  	_ =	shalt  }
0x5b: {  	_ =	shalt  }
0x5c: {  	_ =	shalt  }
0x5d: {  	_ =	shalt  }
0x5e: {  	_ =	shalt  }
0x5f: {  	_ =	shalt  }
0x60: {  	_ =	shalt  }
0x61: {  	_ =	shalt  }
0x62: {  	_ =	shalt  }
0x63: {  	_ =	shalt  }
0x64: {  	_ =	shalt  }
0x65: {  	_ =	shalt  }
0x66: {  	_ =	shalt  }
0x67: {  	_ =	shalt  }
0x68: {  	_ =	shalt  }
0x69: {  	_ =	shalt  }
0x6a: {  	_ =	shalt  }
0x6b: {  	_ =	shalt  }
0x6c: {  	_ =	shalt  }
0x6d: {  	_ =	shalt  }
0x6e: {  	_ =	shalt  }
0x6f: {  	_ =	shalt  }
0x70: {  	_ =	shalt  }
0x71: {  	_ =	shalt  }
0x72: {  	_ =	shalt  }
0x73: {  	_ =	shalt  }
0x74: {  	_ =	shalt  }
0x75: {  	_ =	shalt  }
0x76: {  	_ =	shalt  }
0x77: {  	_ =	shalt  }
0x78: {  	_ =	shalt  }
0x79: {  	_ =	shalt  }
0x7a: {  	_ =	shalt  }
0x7b: {  	_ =	shalt  }
0x7c: {  	_ =	shalt  }
0x7d: {  	_ =	shalt  }
0x7e: {  	_ =	shalt  }
0x7f: {  	_ =	shalt  }
0x80: {  	_ =	shalt  }
0x81: {  	_ =	shalt  }
0x82: {  	_ =	shalt  }
0x83: {  	_ =	shalt  }
0x84: {  	_ =	shalt  }
0x85: {  	_ =	shalt  }
0x86: {  	_ =	shalt  }
0x87: {  	_ =	shalt  }
.Lfunc_end0:
.L_simem_size_0:
called_computation.2_lowered:
.L_overlay_start_0:
0x88: {  	s2 =	sld [smem:$0x3FD9]  }
0x89: {  	s3 =	sld [smem:$0x3FFE];
	_ =	sdelay $0x1  }
0x8a: {  	s1 =	srdreg.scid  }
0x8b: {  	s0 =	sand.u32 $0x1, s1  }
0x8c: {  	s17 =	sshll.u32 s0, $0xA;
	s2 =	sadd.s32 s3, s2  }
0x8d: {  	s2 =	sadd.s32 s2, s17  }
0x8e: {  	[smem:$0x3FC6] =	sst s2  }
0x8f: {  	_ = 	snop  }
0x90: {  	(tm) =	ssettm $0x1  }
0x91: {  	s18 =	sld [smem:$0x3FFB];
	_ =	sdelay $0x3  }
0x92: {  	_ =	strace s18  }
0x93: {  	s2 =	sld [smem:$0x3FFC];
	_ =	sdelay $0x3  }
0x94: {  	_ =	strace s2  }
0x95: {  	s2 =	sld [smem:$0x3FFD];
	_ =	sdelay $0x3  }
0x96: {  	_ =	strace s2  }
0x97: {  	_ =	strace $0x8FFFFFFF  }
0x98: {  	s19 =	sld [smem:$0x3FDB];
	_ =	sdelay $0x1  }
0x99: {  	s20 =	simm.s32 $_scs_section_size  }
0x9a: {  	s4 =	simm.s32 $_size__tile_overlayer_lowered;
	s5 =	simm.s32 $_tile_overlayer_lowered  }
0x9b: {  	s6 =	simm.s32 $0x1BFF;
	s21 =	sshll.u32 s5, $0x1;
	s3 =	sadd.s32 s20, s19  }
0x9c: {  	s22 =	simm.s32 $0x0;
	s4 =	sshll.u32 s4, $0x1;
	s5 =	sadd.s32 s21, s3  }
0x9d: {  	[timem:s22], [sflag:s6] =	dma.local [hbm:s5], s4  }
0x9e: {  	_ =	swait.ge [sflag:s6], s4  }
0x9f: {  	s4 =	ssub.s32 $0x0, s4;
	[sflag:s6] =	ssyncset.done $0x0  }
0xa0: {  	[sflag:s6] =	ssyncadd.s32 s4;
	_ =	sdelay $0x1  }
0xa1: {  	s23 =	simm.s32 $0x1B8B  }
0xa2: {  	_ =	swait.ge [sflag:s23], $0x1  }
0xa3: {  	[sflag:s23] =	ssyncset.done $0x0  }
0xa4: {  	[sflag:s23] =	ssyncadd.s32 $0xFFFFFFFF  }
0xa5: {  	s4 =	sld [smem:$0x0]  }
0xa6: {  	s5 =	sand.u32 $0xFFFFFFFE, s1  }
0xa7: {  	p0 =	sne.s32 s1, s5  }
0xa8: {  	s5 =	sshll.u32 @p0 s5, $0xE  }
0xa9: {  	s5 =	sadd.s32 @p0 $0x11B8D, s5;
	s6 =	sshll.u32 @p0 s4, $0x11  }
0xaa: {  	s5 =	sor.u32 @p0 s6, s5  }
0xab: {  	[sflag:s5] =	ssyncadd.remote.s32 @p0 $0x1;
	_ =	sdelay $0x1  }
0xac: {  	s5 =	simm.s32 @p0 $0x1B8D  }
0xad: {  	_ =	swait.eq @p0 [sflag:s5], $0x1  }
0xae: {  	[sflag:s5] =	ssyncadd.s32 @p0 $0xFFFFFFFF  }
0xaf: {  	s6 =	sshll.u32 @!p0 s1, $0xE  }
0xb0: {  	s6 =	sor.u32 @!p0 $0x4000, s6;
	s5 =	simm.s32 @!p0 $0x1B8D  }
0xb1: {  	s4 =	sshll.u32 @!p0 s4, $0x11;
	s6 =	sadd.s32 @!p0 $0x11B8D, s6;
	_ =	swait.eq @!p0 [sflag:s5], $0x1  }
0xb2: {  	s4 =	sor.u32 @!p0 s4, s6;
	[sflag:s5] =	ssyncadd.s32 @!p0 $0xFFFFFFFF  }
0xb3: {  	s25 =	simm.s32 $0x1B8E;
	s24 =	sld [smem:$0x3FFE];
	[sflag:s4] =	ssyncadd.remote.s32 @!p0 $0x1  }
0xb4: {  	s26 =	simm.s32 $execute0_lowered;
	[smem:$0x3FD2] =	sst s25  }
0xb5: {  	s5 =	sshll.u32 s26, $0x1;
	_ =	strace $0x80000049;
	[dreg:$0x1] =	wrdreg $0xFFFFFFFF  }
0xb6: {  	s28 =	simm.s32 $_size_execute0_lowered;
	s3 =	sadd.s32 s3, s5;
	[dreg:$0x0] =	wrdreg $0x0  }
0xb7: {  	s5 =	sshll.u32 s28, $0x1;
	[dreg:$0x2] =	wrdreg s3  }
0xb8: {  	[dreg:$0x3] =	wrdreg s5  }
0xb9: {  	[dreg:$0x4] =	wrdreg $0xC0  }
0xba: {  	_ =	task [dreg:s22], $0x5FFFF  }
0xbb: {  	[dreg:$0x1] =	wrdreg $0xFFFFFFFF  }
0xbc: {  	[dreg:$0x0] =	wrdreg $0x60  }
0xbd: {  	[dreg:$0x2] =	wrdreg s24  }
0xbe: {  	[dreg:$0x3] =	wrdreg $0xB  }
0xbf: {  	_ =	task.clear_ibuf [dreg:s22], $0x4FFFF;
	_ =	strace $0x90000049  }
0xc0: {  	s29 =	simm.s32 $0xB;
	_ =	strace $0x8000004B  }
0xc1: {  	_ =	swait.ge [sflag:s29], $0x1  }
0xc2: {  	[sflag:s29] =	ssyncadd.s32 $0xFFFFFFFF  }
0xc3: {  	_ =	strace $0x9000004B  }
0xc4: {  	_ =	sfence  }
0xc5: {  	s30 =	sld [smem:$0x0];
	_ =	sdelay $0x2  }
0xc6: {  	s31 =	sshll.u32 s1, $0xD;
	s1 =	sshrl.u32 s1, $0x2  }
0xc7: {  	s4 =	sand.u32 $0x4000, s31;
	s1 =	sadd.s32 s1, s30  }
0xc8: {  	s0 =	sor.u32 s4, s0;
	s1 =	sshll.u32 s1, $0x11  }
0xc9: {  	s0 =	sor.u32 s1, s0  }
0xca: {  	s0 =	sadd.s32 $0x8F2B, s0  }
0xcb: {  	[sflag:s0] =	ssyncadd.remote.s32 $0x1  }
0xcc: {  	_ =	sfence.sel $0xFFFF  }
0xcd: {  	[dreg:$0x0] =	wrdreg $0xFFFFFFFF;
	(pc) =	sbr.abs _section_cstart, $3  }
0xce: {  	[dreg:$0x1] =	wrdreg $0xFFFFFFFF  }
0xcf: {  	_ =	task.clear_ibuf [dreg:s22], $0x2FFFF;
	_ =	strace $0x9FFFFFFF  }
0xd0: {  	(tm) =	ssettm $0x7FFFFFFF  }
0xd1: {  	_ =	shalt  }
tec
execute0_lowered:
.L_overlay_start_1:
0x0: {  	(tag) =	ssettag $0x1  }
0x1: {  	s3 =	rddreg [dreg:$0x0];
	s2 =	srdreg.scid  }
0x2: {  	s0 =	rddreg [dreg:$0x1];
	s1 =	stileid.u32;
	s7 =	simm.s32 $0x1  }
0x3: {  	s8 =	simm.s32 $0x8000;
	s9 =	simm.s32 $0x10000;
	s4 =	sand.u32 $0x1, s2  }
0x4: {  	s10 =	simm.s32 $0x0;
	s5 =	sshll.u32 s1, $0xD;
	s6 =	sshll.u32 s4, $0xC  }
0x5: {  	v0 =	vlaneseq.u32;
	s2 =	simm.s32 $0x0;
	s4 =	ssub.s32 $0x2, s4;
	s5 =	sor.u32 s6, s5  }
0x6: {  	v4 =	vmul.u32 $0xFFFFFFFF, v0;
	[smem:$0x7FF] =	sst s2;
	s30 =	sshrl.u32 s4, $0x1;
	s5 =	sadd.s32 s5, s3  }
0x7: {  	vm0 =	vmmov $0xff;
	v5 =	vimm.f32 $0.0e+00;
	v1 =	vor.u32 $0x10, v0;
	_ =	strace $0x8000004A;
	s31 =	ssub.s32 s4, s30;
	s3 =	sadd.s32 $0x62E00, s5  }
0x8: {  	v2 =	vor.u32 $0x20, v0;
	v3 =	vor.u32 $0x30, v0;
	v4 =	vadd.s32 $0xF, v4;
	s4 =	sadd.s32 $0xA2E00, s5;
	s5 =	sadd.s32 $0x82E00, s5;
	s6 =	smax.u32 s31, $0x1  }
.LBB2_1:
0x9: {  	[tilespmem:s2], [sflag:$0x1] =	stream.linear.gather [hbm4b:s3+s2], $0x8000, $0x38;
	[tilespmem:$0x18000] =	vst v63  }
0xa: {  	_ =	swait.ge [sflag:s7], $0x8000  }
0xb: {  	[sflag:s7] =	ssyncset.done $0x0  }
0xc: {  	s13 =	simm.s32 $0x20;
	[sflag:s7] =	ssyncadd.s32 $0xFFFF8000  }
0xd: {  	v7 =	vld [tilespmem:s13+$0x10]  }
0xe: {  	v6 =	vld [tilespmem:s13+$0x0]  }
0xf: {  	s11 =	simm.s32 $0x8020;
	s14 =	simm.s32 $0x1;
	s12 =	simm.s32 $0x0;
	v8 =	vld [tilespmem:s13+$0xFFFFFFF0]  }
.LBB2_2:
0x10: {  	p0 =	sne.s32 s14, $0xFF;
	v9 =	vld [tilespmem:s13+$0xFFFFFFE0];
	[tilespmem:s11+$0xFFFFFFF0] =	vst v5;
	_ =	sdelay $0x2  }
0x11: {  	(xrf1) =	vsort.dscd.msk.f32 $0xffff, v7, v3  }
0x12: {  	(xrf1) =	vsort.dscd.msk.f32 $0xffff, v8, v1  }
0x13: {  	(xrf1) =	vsort.dscd.msk.f32 $0xffff, v6, v2  }
0x14: {  	(xrf1) =	vsort.dscd.msk.f32 $0xffff, v9, v0;
	_ =	sdelay $0xa  }
0x15: {  	v6, v7, _ =	vpop (xrf1)  }
0x16: {  	v6 =	vperm.xlane v6, v4;
	v7 =	vperm.xlane v7, v4;
	v8, v9, _ =	vpop (xrf1)  }
0x17: {  	v8 =	vperm.xlane v8, v4;
	v10, v11, _ =	vpop (xrf1)  }
0x18: {  	v9 =	vperm.xlane v9, v4;
	v6 =	vsel vm0, v10, v6;
	v7 =	vsel vm0, v11, v7;
	v10, v11, _ =	vpop (xrf1)  }
0x19: {  	(xrf1) =	vsort.dscd.msk.f32 $0xffff, v6, v7  }
0x1a: {  	v6 =	vsel vm0, v10, v8;
	v7 =	vsel vm0, v11, v9  }
0x1b: {  	(xrf1) =	vsort.dscd.msk.f32 $0xffff, v6, v7;
	_ =	sdelay $0xb  }
0x1c: {  	v6, v7, _ =	vpop (xrf1)  }
0x1d: {  	v6 =	vperm.xlane v6, v4;
	v7 =	vperm.xlane v7, v4  }
0x1e: {  	v8, v9, _ =	vpop (xrf1)  }
0x1f: {  	v6 =	vsel vm0, v8, v6;
	v7 =	vsel vm0, v9, v7  }
0x20: {  	(xrf1) =	vsort.dscd.msk.f32 $0xffff, v6, v7;
	_ =	sdelay $0xd  }
0x21: {  	v6, v7, _ =	vpop (xrf1)  }
0x22: {  	v8 =	vand.u32 $0xFFFFFF80, v7;
	v9 =	vand.u32 $0x7F, v7;
	(xrf0) =	vmax.scan.msk.f32 $0xffff, v6;
	_ =	sdelay $0x5  }
0x23: {  	v10, _, _ =	vpop (xrf0)  }
0x24: {  	v10 =	vbroadcast v10, $0xF;
	_ =	sdelay $0x1  }
0x25: {  	v6 =	vsub.f32 v6, v10;
	_ =	sdelay $0x1  }
0x26: {  	v6 =	vmul.f32 $1.442695020e+00, v6;
	_ =	sdelay $0x1  }
0x27: {  	(erf) = vpow2.f32 v6;
	_ =	sdelay $0x8  }
0x28: {  	v6 =	vpop (erf)  }
0x29: {  	v10 =	vnsel vm0, $0x0, v6  }
0x2a: {  	(xrf2) =	vadd.scan.msk.f32 $0xffff, v10;
	_ =	sdelay $0x9  }
0x2b: {  	v10, _, _ =	vpop (xrf2)  }
0x2c: {  	v10 =	vbroadcast v10, $0xF;
	_ =	sdelay $0x1  }
0x2d: {  	(erf) = vrcp.f32 v10;
	_ =	sdelay $0x4  }
0x2e: {  	s15 =	sshll.u32 s12, $0x7;
	s12 =	smov.u32 s14  }
0x2f: {  	v8 =	vadd.s32 s15, v8  }
0x30: {  	v8 =	vor.u32 v9, v8  }
0x31: {  	v9 =	vor.u32 s15, v0  }
0x32: {  	[tilespmem:s11+$0xFFFFFFE0] =	vst v5;
	v10 =	vpop (erf)  }
0x33: {  	v6 =	vmul.f32 v10, v6;
	[tilespmem:s11+$0x0] =	vst v5  }
0x34: {  	[tilespmem:s11+$0x10] =	vst v5  }
.Ltmp0:
0x35: {  	[tilespmem:v8+s8+$0x0] =	vst.idx.msk $0xff, v6;
	(pc) =	sbr.rel @p0 .LBB2_2-.Ltmp0, $4  }
0x36: {  	s13 =	sadd.s32 $0x80, s13;
	[tilespmem:v9+s9+$0x0] =	vst.idx.msk $0xff, v7  }
0x37: {  	v7 =	vld [tilespmem:s13+$0x10]  }
0x38: {  	v6 =	vld [tilespmem:s13+$0x0]  }
0x39: {  	s14 =	sadd.s32 $0x1, s14;
	s11 =	sadd.s32 $0x80, s11;
	v8 =	vld [tilespmem:s13+$0xFFFFFFF0]  }
0x3a: {  	_ =	sdelay $0x1  }
0x3b: {  	v9 =	vld [tilespmem:s13+$0xFFFFFFE0]  }
0x3c: {  	(xrf1) =	vsort.dscd.msk.f32 $0xffff, v7, v3  }
0x3d: {  	(xrf1) =	vsort.dscd.msk.f32 $0xffff, v8, v1  }
0x3e: {  	(xrf1) =	vsort.dscd.msk.f32 $0xffff, v6, v2;
	_ =	sdelay $0x1  }
0x3f: {  	(xrf1) =	vsort.dscd.msk.f32 $0xffff, v9, v0;
	_ =	sdelay $0x9  }
0x40: {  	v6, v7, _ =	vpop (xrf1)  }
0x41: {  	v6 =	vperm.xlane v6, v4;
	v7 =	vperm.xlane v7, v4;
	v8, v53, _ =	vpop (xrf1)  }
0x42: {  	v8 =	vperm.xlane v8, v4;
	v10, v11, _ =	vpop (xrf1)  }
0x43: {  	v9 =	vperm.xlane v53, v4;
	v6 =	vsel vm0, v10, v6;
	v7 =	vsel vm0, v11, v7  }
0x44: {  	v54, v55, _ =	vpop (xrf1);
	(xrf1) =	vsort.dscd.msk.f32 $0xffff, v6, v7  }
0x45: {  	v6 =	vsel vm0, v54, v8;
	v7 =	vsel vm0, v55, v9  }
0x46: {  	(xrf1) =	vsort.dscd.msk.f32 $0xffff, v6, v7;
	_ =	sdelay $0xb  }
0x47: {  	v6, v7, _ =	vpop (xrf1)  }
0x48: {  	v6 =	vperm.xlane v6, v4;
	v7 =	vperm.xlane v7, v4  }
0x49: {  	v56, v57, _ =	vpop (xrf1)  }
0x4a: {  	v6 =	vsel vm0, v56, v6;
	v7 =	vsel vm0, v57, v7  }
0x4b: {  	(xrf1) =	vsort.dscd.msk.f32 $0xffff, v6, v7;
	_ =	sdelay $0xd  }
0x4c: {  	v6, v7, _ =	vpop (xrf1)  }
0x4d: {  	(xrf0) =	vmax.scan.msk.f32 $0xffff, v6;
	_ =	sdelay $0x5  }
0x4e: {  	v58, _, _ =	vpop (xrf0)  }
0x4f: {  	v8 =	vbroadcast v58, $0xF;
	_ =	sdelay $0x1  }
0x50: {  	v6 =	vsub.f32 v6, v8;
	_ =	sdelay $0x1  }
0x51: {  	v6 =	vmul.f32 $1.442695020e+00, v6;
	_ =	sdelay $0x1  }
0x52: {  	(erf) = vpow2.f32 v6;
	_ =	sdelay $0x8  }
0x53: {  	v6 =	vpop (erf)  }
0x54: {  	v59 =	vnsel vm0, $0x0, v6  }
0x55: {  	(xrf2) =	vadd.scan.msk.f32 $0xffff, v59;
	_ =	sdelay $0x9  }
0x56: {  	v8, _, _ =	vpop (xrf2)  }
0x57: {  	v8 =	vbroadcast v8, $0xF;
	_ =	sdelay $0x1  }
0x58: {  	(erf) = vrcp.f32 v8;
	_ =	sdelay $0x4  }
0x59: {  	s12 =	sshll.u32 s12, $0x7;
	v60 =	vand.u32 $0xFFFFFF80, v7  }
0x5a: {  	v61 =	vand.u32 $0x7F, v7;
	v8 =	vadd.s32 s12, v60  }
0x5b: {  	v8 =	vor.u32 v61, v8  }
0x5c: {  	[tilespmem:s11+$0xFFFFFFF0] =	vst v5;
	v62 =	vor.u32 s12, v0  }
0x5d: {  	[tilespmem:s11+$0xFFFFFFE0] =	vst v5;
	v63 =	vpop (erf)  }
0x5e: {  	[tilespmem:s11+$0x0] =	vst v5;
	v6 =	vmul.f32 v63, v6  }
0x5f: {  	[tilespmem:s11+$0x10] =	vst v5  }
0x60: {  	[tilespmem:v8+s8+$0x0] =	vst.idx.msk $0xff, v6  }
0x61: {  	[tilespmem:v62+s9+$0x0] =	vst.idx.msk $0xff, v7  }
0x62: {  	[hbm4b:s4+s2] =	stream.linear.scatter [tilespmem:s8], [sflag:$0x1], $0x8000, $0x38;
	[tilespmem:$0x18000] =	vst v63  }
0x63: {  	s10 =	sadd.s32 $0x1, s10;
	_ =	swait.ge [sflag:s7], $0x8000  }
0x64: {  	p0 =	sne.s32 s10, s6;
	[sflag:s7] =	ssyncset.done $0x0  }
.Ltmp1:
0x65: {  	[sflag:s7] =	ssyncadd.s32 $0xFFFF8000;
	(pc) =	sbr.rel @p0 .LBB2_1-.Ltmp1, $4  }
0x66: {  	[hbm4b:s5+s2] =	stream.linear.scatter [tilespmem:s9], [sflag:$0x1], $0x8000, $0x38;
	[tilespmem:$0x18000] =	vst v63  }
0x67: {  	_ =	swait.ge [sflag:s7], $0x8000  }
0x68: {  	[sflag:s7] =	ssyncset.done $0x0  }
0x69: {  	[sflag:s7] =	ssyncadd.s32 $0xFFFF8000  }
0x6a: {  	_ =	sfence.sel $0x180000  }
0x6b: {  	[bflag:$0x0] =	sbarrier.arrive $0xFFFF  }
0x6c: {  	p0 =	sne.s32 s1, $0x0;
	_ =	strace $0x9000004A  }
0x6d: {  	s0 =	sadd.s32 @!p0 $0x100000, s0;
	[bflag:$0x2] =	sbarrier.arrive $0xFFFF  }
0x6e: {  	[sflag:s0] =	ssyncadd.tile.s32 @!p0 $0x1;
	_ =	shalt  }
.Lfunc_end2:
_tile_overlayer_lowered:
.L_overlay_start_2:
0x6f: {  	(tag) =	ssettag $0x2  }
0x70: {  	s0 =	rddreg [dreg:$0x0];
	s2 =	stileid.u32  }
0x71: {  	s1 =	rddreg [dreg:$0x1];
	p0 =	sne.s32 s2, $0x0  }
0x72: {  	s3 =	rddreg [dreg:$0x2];
	[bflag:$0x3] =	sbarrier.arrive $0xFFFF;
	s2 =	simm.s32 @!p0 $0x1C01  }
0x73: {  	[timem:s3], [sflag:s2] =	dma.local @!p0 [hbm:s0], s1  }
0x74: {  	s0 =	simm.s32 @!p0 $0x1  }
0x75: {  	_ =	swait.ge @!p0 [sflag:s0], s1  }
0x76: {  	s1 =	ssub.s32 @!p0 $0x0, s1;
	[sflag:s0] =	ssyncset.done @!p0 $0x0  }
0x77: {  	[sflag:s0] =	ssyncadd.s32 @!p0 s1  }
0x78: {  	[bflag:$0x3] =	sbarrier.arrive $0xFFFF  }
0x79: {  	_ =	shalt  }

// kernel: kernel.19.cloned.1.call-start
scs
__scs_entry_jumppad:
0x0: {  	(pc) =	sbr.rel $0x88, $3  }
0x1: {  	(tag) =	ssettag $0x0;
	lr =	simm.s32 $0x1  }
0x2: {  	[smem:$0x3F9F] =	sst lr;
	_ =	strace $0xD0000000  }
0x3: {  	_ = 	snop  }
0x4: {  	_ = 	snop  }
0x5: {  	_ = 	snop  }
0x6: {  	_ = 	snop  }
0x7: {  	_ = 	snop  }
__scs_overlays_trampoline_lowered:
0x8: {  	[smem:$0x3FAE] =	sst s0  }
0x9: {  	[smem:$0x3FAF] =	sst s1  }
0xa: {  	[smem:$0x3FB0] =	sst s2  }
0xb: {  	[smem:$0x3FB1] =	sst s3  }
0xc: {  	[smem:$0x3FB2] =	sst s4  }
0xd: {  	[smem:$0x3FB3] =	sst s5  }
0xe: {  	[smem:$0x3FB4] =	sst s6  }
0xf: {  	[smem:$0x3FB5] =	sst s7  }
0x10: {  	[smem:$0x3FB6] =	sst s8  }
0x11: {  	[smem:$0x3FB7] =	sst s9;
	s0 =	simm.s32 @!p0 $0x0  }
0x12: {  	s1 =	sld [smem:$0x3F9D];
	s0 =	simm.s32 @p0 $0x1  }
0x13: {  	[smem:$0x3FB8] =	sst s0;
	s0 =	simm.s32 @!p1 $0x0  }
0x14: {  	s2 =	sld [smem:$0x3F9C];
	s0 =	simm.s32 @p1 $0x1  }
0x15: {  	[smem:$0x3FB9] =	sst s0;
	s0 =	simm.s32 @!p2 $0x0  }
0x16: {  	s3 =	sld [smem:$0x3FDB];
	s0 =	simm.s32 @p2 $0x1  }
0x17: {  	s4 =	simm.s32 $0x1BF5;
	[smem:$0x3FBB] =	sst s0  }
0x18: {  	s0 =	sld [smem:$0x3F9E];
	_ =	swait.ge [sflag:s4], $0x0  }
0x19: {  	s7 =	sld [smem:$0x3F9F]  }
0x1a: {  	s8 =	sadd.s32 $0xFFFFE003, lr  }
0x1b: {  	s9 =	sadd.s32 $0xFFFFFEF7, lr;
	s5 =	simm.s32 $0xFFFFFFFF;
	p2 =	slt.u32 s8, $0xFFFFF086  }
0x1c: {  	p1 =	slt.u32 s9, $0xF7A;
	s5 =	simm.s32 @!p2 $0x0  }
0x1d: {  	s5 =	simm.s32 @p1 $0x1;
	p0 =	seq.s32 s7, s2  }
0x1e: {  	s7 =	smul.u32 @!p0 $0xF7A, s2;
	p2 =	seq.s32 @!p0 s5, $0x0  }
0x1f: {  	s9 =	smul.u32 $0xF7A, s1;
	s8 =	simm.s32 @!p0 $0x1BF5;
	p2 =	por !p2, p0  }
0x20: {  	[sflag:s8] =	ssyncset.s32 @!p0 $0xFFFFF086;
	s6 =	sadd.s32 @!p0 s3, s7;
	s7 =	simm.s32 @!p0 $0x108  }
0x21: {  	s3 =	sadd.s32 s3, s9;
	s6 =	sadd.s32 @!p0 $0x88, s6;
	s7 =	simm.s32 @p2 $0x1082  }
0x22: {  	[simem:s7], [sflag:s8] =	dma.local @!p0 [hbm:s6], $0xF7A  }
0x23: {  	s9 =	sor.u32 $0xD0000000, s2;
	s6 =	simm.s32 $0x108;
	_ =	swait.ge @!p0 [sflag:s8], $0x0  }
0x24: {  	s3 =	sadd.s32 $0x88, s3;
	s6 =	simm.s32 @!p1 $0x1082;
	[sflag:s4] =	ssyncset.s32 $0xFFFFF086  }
0x25: {  	[simem:s6], [sflag:s4] =	dma.local [hbm:s3], $0xF7A  }
0x26: {  	[smem:$0x3F9F] =	sst s1;
	(tag) =	ssettag s2;
	_ =	strace s9  }
0x27: {  	s1 =	sld [smem:$0x3FAF]  }
0x28: {  	s2 =	sld [smem:$0x3FB0]  }
0x29: {  	s4 =	sld [smem:$0x3FB2]  }
0x2a: {  	p0 =	seq.s32 s5, $0x0;
	s5 =	sld [smem:$0x3FB3]  }
0x2b: {  	s6 =	sld [smem:$0x3FB4]  }
0x2c: {  	s7 =	sld [smem:$0x3FB5]  }
0x2d: {  	s3 =	simm.s32 $0x108;
	s8 =	sld [smem:$0x3FB6]  }
0x2e: {  	s3 =	simm.s32 @!p0 $0x1082;
	s9 =	sld [smem:$0x3FB7]  }
0x2f: {  	lr =	sadd.s32 s0, s3;
	s0 =	sld [smem:$0x3FAE]  }
0x30: {  	s3 =	sld [smem:$0x3FB1]  }
0x31: {  	[smem:$0x3FBA] =	sst s10  }
0x32: {  	s10 =	sld [smem:$0x3FB8];
	_ =	sdelay $0x3  }
0x33: {  	p0 =	seq.s32 s10, $0x1;
	s10 =	sld [smem:$0x3FBA];
	_ =	sdelay $0x3  }
0x34: {  	[smem:$0x3FBA] =	sst s10  }
0x35: {  	s10 =	sld [smem:$0x3FB9];
	_ =	sdelay $0x3  }
0x36: {  	p1 =	seq.s32 s10, $0x1;
	s10 =	sld [smem:$0x3FBA];
	_ =	sdelay $0x3  }
0x37: {  	[smem:$0x3FBA] =	sst s10  }
0x38: {  	s10 =	sld [smem:$0x3FBB]  }
0x39: {  	_ = 	snop;
	(pc) =	sbr.ind lr, $3  }
0x3a: {  	_ = 	snop  }
0x3b: {  	_ = 	snop  }
0x3c: {  	p2 =	seq.s32 s10, $0x1;
	s10 =	sld [smem:$0x3FBA]  }
0x3d: {  	_ =	shalt  }
0x3e: {  	_ =	shalt  }
0x3f: {  	_ =	shalt  }
0x40: {  	_ =	shalt  }
0x41: {  	_ =	shalt  }
0x42: {  	_ =	shalt  }
0x43: {  	_ =	shalt  }
0x44: {  	_ =	shalt  }
0x45: {  	_ =	shalt  }
0x46: {  	_ =	shalt  }
0x47: {  	_ =	shalt  }
0x48: {  	_ =	shalt  }
0x49: {  	_ =	shalt  }
0x4a: {  	_ =	shalt  }
0x4b: {  	_ =	shalt  }
0x4c: {  	_ =	shalt  }
0x4d: {  	_ =	shalt  }
0x4e: {  	_ =	shalt  }
0x4f: {  	_ =	shalt  }
0x50: {  	_ =	shalt  }
0x51: {  	_ =	shalt  }
0x52: {  	_ =	shalt  }
0x53: {  	_ =	shalt  }
0x54: {  	_ =	shalt  }
0x55: {  	_ =	shalt  }
0x56: {  	_ =	shalt  }
0x57: {  	_ =	shalt  }
0x58: {  	_ =	shalt  }
0x59: {  	_ =	shalt  }
0x5a: {  	_ =	shalt  }
0x5b: {  	_ =	shalt  }
0x5c: {  	_ =	shalt  }
0x5d: {  	_ =	shalt  }
0x5e: {  	_ =	shalt  }
0x5f: {  	_ =	shalt  }
0x60: {  	_ =	shalt  }
0x61: {  	_ =	shalt  }
0x62: {  	_ =	shalt  }
0x63: {  	_ =	shalt  }
0x64: {  	_ =	shalt  }
0x65: {  	_ =	shalt  }
0x66: {  	_ =	shalt  }
0x67: {  	_ =	shalt  }
0x68: {  	_ =	shalt  }
0x69: {  	_ =	shalt  }
0x6a: {  	_ =	shalt  }
0x6b: {  	_ =	shalt  }
0x6c: {  	_ =	shalt  }
0x6d: {  	_ =	shalt  }
0x6e: {  	_ =	shalt  }
0x6f: {  	_ =	shalt  }
0x70: {  	_ =	shalt  }
0x71: {  	_ =	shalt  }
0x72: {  	_ =	shalt  }
0x73: {  	_ =	shalt  }
0x74: {  	_ =	shalt  }
0x75: {  	_ =	shalt  }
0x76: {  	_ =	shalt  }
0x77: {  	_ =	shalt  }
0x78: {  	_ =	shalt  }
0x79: {  	_ =	shalt  }
0x7a: {  	_ =	shalt  }
0x7b: {  	_ =	shalt  }
0x7c: {  	_ =	shalt  }
0x7d: {  	_ =	shalt  }
0x7e: {  	_ =	shalt  }
0x7f: {  	_ =	shalt  }
0x80: {  	_ =	shalt  }
0x81: {  	_ =	shalt  }
0x82: {  	_ =	shalt  }
0x83: {  	_ =	shalt  }
0x84: {  	_ =	shalt  }
0x85: {  	_ =	shalt  }
0x86: {  	_ =	shalt  }
0x87: {  	_ =	shalt  }
.Lfunc_end0:
.L_simem_size_0:
called_computation.3_lowered:
.L_overlay_start_0:
0x88: {  	s2 =	sld [smem:$0x3FD9]  }
0x89: {  	s3 =	sld [smem:$0x3FFE];
	_ =	sdelay $0x1  }
0x8a: {  	s1 =	srdreg.scid  }
0x8b: {  	s0 =	sand.u32 $0x1, s1  }
0x8c: {  	s15 =	sshll.u32 s0, $0xA;
	s2 =	sadd.s32 s3, s2  }
0x8d: {  	s2 =	sadd.s32 s2, s15  }
0x8e: {  	[smem:$0x3FC6] =	sst s2  }
0x8f: {  	_ = 	snop  }
0x90: {  	s2 =	sld [smem:$0x3FD0];
	_ =	sdelay $0x2  }
0x91: {  	s16 =	simm.s32 $0xD;
	s4 =	simm.s32 $0x10  }
0x92: {  	[smem:s4], [sflag:s16] =	dma.local [hbm:s2], $0x1  }
0x93: {  	_ =	swait.eq [sflag:s16], $0x1  }
0x94: {  	[sflag:s16] =	ssyncset.done $0x0  }
0x95: {  	[sflag:s16] =	ssyncadd.s32 $0xFFFFFFFF  }
0x96: {  	s17 =	sld [smem:$0x10];
	(tm) =	ssettm $0x1  }
0x97: {  	s18 =	sld [smem:$0x3FFB];
	_ =	sdelay $0x3  }
0x98: {  	_ =	strace s18  }
0x99: {  	s2 =	sld [smem:$0x3FFC];
	_ =	sdelay $0x3  }
0x9a: {  	_ =	strace s2  }
0x9b: {  	s2 =	sld [smem:$0x3FFD];
	_ =	sdelay $0x3  }
0x9c: {  	_ =	strace s2  }
0x9d: {  	_ =	strace $0x8FFFFFFF  }
0x9e: {  	s19 =	sld [smem:$0x3FDB];
	_ =	sdelay $0x1  }
0x9f: {  	s20 =	simm.s32 $_scs_section_size  }
0xa0: {  	s5 =	simm.s32 $_size__tile_overlayer_lowered;
	s6 =	simm.s32 $_tile_overlayer_lowered  }
0xa1: {  	s7 =	simm.s32 $0x1BFF;
	s21 =	sshll.u32 s6, $0x1;
	s4 =	sadd.s32 s20, s19  }
0xa2: {  	s22 =	simm.s32 $0x0;
	s5 =	sshll.u32 s5, $0x1;
	s6 =	sadd.s32 s21, s4  }
0xa3: {  	[timem:s22], [sflag:s7] =	dma.local [hbm:s6], s5  }
0xa4: {  	_ =	swait.ge [sflag:s7], s5  }
0xa5: {  	s5 =	ssub.s32 $0x0, s5;
	[sflag:s7] =	ssyncset.done $0x0  }
0xa6: {  	[sflag:s7] =	ssyncadd.s32 s5;
	_ =	sdelay $0x1  }
0xa7: {  	s23 =	simm.s32 $0x1B8B  }
0xa8: {  	_ =	swait.ge [sflag:s23], $0x1  }
0xa9: {  	[sflag:s23] =	ssyncset.done $0x0  }
0xaa: {  	[sflag:s23] =	ssyncadd.s32 $0xFFFFFFFF  }
0xab: {  	s5 =	sld [smem:$0x0]  }
0xac: {  	s6 =	sand.u32 $0xFFFFFFFE, s1  }
0xad: {  	p0 =	sne.s32 s1, s6  }
0xae: {  	s6 =	sshll.u32 @p0 s6, $0xE  }
0xaf: {  	s6 =	sadd.s32 @p0 $0x11B8D, s6;
	s7 =	sshll.u32 @p0 s5, $0x11  }
0xb0: {  	s6 =	sor.u32 @p0 s7, s6  }
0xb1: {  	[sflag:s6] =	ssyncadd.remote.s32 @p0 $0x1;
	_ =	sdelay $0x1  }
0xb2: {  	s6 =	simm.s32 @p0 $0x1B8D  }
0xb3: {  	_ =	swait.eq @p0 [sflag:s6], $0x1  }
0xb4: {  	[sflag:s6] =	ssyncadd.s32 @p0 $0xFFFFFFFF  }
0xb5: {  	s7 =	sshll.u32 @!p0 s1, $0xE  }
0xb6: {  	s7 =	sor.u32 @!p0 $0x4000, s7;
	s6 =	simm.s32 @!p0 $0x1B8D  }
0xb7: {  	s5 =	sshll.u32 @!p0 s5, $0x11;
	s7 =	sadd.s32 @!p0 $0x11B8D, s7;
	_ =	swait.eq @!p0 [sflag:s6], $0x1  }
0xb8: {  	s5 =	sor.u32 @!p0 s5, s7;
	[sflag:s6] =	ssyncadd.s32 @!p0 $0xFFFFFFFF  }
0xb9: {  	s25 =	simm.s32 $0x1B8E;
	s24 =	sld [smem:$0x3FFE];
	[sflag:s5] =	ssyncadd.remote.s32 @!p0 $0x1  }
0xba: {  	s26 =	simm.s32 $execute0_lowered;
	[smem:$0x3FD2] =	sst s25  }
0xbb: {  	s6 =	sshll.u32 s26, $0x1;
	_ =	strace $0x8000004C;
	[dreg:$0x1] =	wrdreg $0xFFFFFFFF  }
0xbc: {  	s28 =	simm.s32 $_size_execute0_lowered;
	s4 =	sadd.s32 s4, s6;
	[dreg:$0x0] =	wrdreg $0x0  }
0xbd: {  	s6 =	sshll.u32 s28, $0x1;
	[dreg:$0x2] =	wrdreg s4  }
0xbe: {  	[dreg:$0x3] =	wrdreg s6  }
0xbf: {  	[dreg:$0x4] =	wrdreg $0xC0  }
0xc0: {  	_ =	task [dreg:s22], $0x5FFFF  }
0xc1: {  	[dreg:$0x1] =	wrdreg $0xFFFFFFFF  }
0xc2: {  	[dreg:$0x0] =	wrdreg $0x60  }
0xc3: {  	[dreg:$0x2] =	wrdreg s17  }
0xc4: {  	[dreg:$0x3] =	wrdreg s24  }
0xc5: {  	[dreg:$0x4] =	wrdreg $0xC  }
0xc6: {  	_ =	task.clear_ibuf [dreg:s22], $0x5FFFF;
	_ =	strace $0x9000004C  }
0xc7: {  	s29 =	simm.s32 $0xC;
	_ =	strace $0x8000004E  }
0xc8: {  	_ =	swait.ge [sflag:s29], $0x1  }
0xc9: {  	[sflag:s29] =	ssyncadd.s32 $0xFFFFFFFF  }
0xca: {  	_ =	strace $0x9000004E  }
0xcb: {  	_ =	sfence  }
0xcc: {  	s30 =	sld [smem:$0x0];
	_ =	sdelay $0x2  }
0xcd: {  	s31 =	sshll.u32 s1, $0xD;
	s1 =	sshrl.u32 s1, $0x2  }
0xce: {  	s4 =	sand.u32 $0x4000, s31;
	s1 =	sadd.s32 s1, s30  }
0xcf: {  	s0 =	sor.u32 s4, s0;
	s1 =	sshll.u32 s1, $0x11  }
0xd0: {  	s0 =	sor.u32 s1, s0  }
0xd1: {  	s0 =	sadd.s32 $0x8F2B, s0  }
0xd2: {  	[sflag:s0] =	ssyncadd.remote.s32 $0x1  }
0xd3: {  	_ =	sfence.sel $0xFFFF  }
0xd4: {  	[dreg:$0x0] =	wrdreg $0xFFFFFFFF;
	(pc) =	sbr.abs _section_cstart, $3  }
0xd5: {  	[dreg:$0x1] =	wrdreg $0xFFFFFFFF  }
0xd6: {  	_ =	task.clear_ibuf [dreg:s22], $0x2FFFF;
	_ =	strace $0x9FFFFFFF  }
0xd7: {  	(tm) =	ssettm $0x7FFFFFFF  }
tec
execute0_lowered:
.L_overlay_start_1:
0x0: {  	(tag) =	ssettag $0x1  }
0x1: {  	s3 =	rddreg [dreg:$0x0]  }
0x2: {  	s4 =	rddreg [dreg:$0x1];
	s2 =	srdreg.scid  }
0x3: {  	s0 =	rddreg [dreg:$0x2];
	s1 =	stileid.u32;
	s9 =	simm.s32 $0x10000  }
0x4: {  	s10 =	simm.s32 $0x0;
	s5 =	sand.u32 $0x1, s2;
	s2 =	simm.s32 $0x0  }
0x5: {  	s6 =	sshll.u32 s1, $0xD;
	s7 =	sshll.u32 s5, $0xC;
	s5 =	ssub.s32 $0x2, s5  }
0x6: {  	v0 =	vlaneseq.u32;
	[smem:$0x7FF] =	sst s2;
	s6 =	sor.u32 s7, s6;
	s31 =	sshrl.u32 s5, $0x1  }
0x7: {  	v4 =	vmul.u32 $0xFFFFFFFF, v0;
	_ =	strace $0x8000004D;
	s7 =	sadd.s32 s6, s4;
	s8 =	ssub.s32 s5, s31  }
0x8: {  	vm0 =	vmmov $0xff;
	v5 =	vimm.f32 $0.0e+00;
	v1 =	vor.u32 $0x10, v0;
	s3 =	sadd.s32 s3, s6;
	s4 =	sadd.s32 $0xE2E00, s7;
	s5 =	sadd.s32 $0xC2E00, s7  }
0x9: {  	v2 =	vor.u32 $0x20, v0;
	v3 =	vor.u32 $0x30, v0;
	v4 =	vadd.s32 $0xF, v4;
	s6 =	smax.u32 s8, $0x1;
	s7 =	simm.s32 $0x1;
	s8 =	simm.s32 $0x8000  }
.LBB2_1:
0xa: {  	[tilespmem:s2], [sflag:$0x1] =	stream.linear.gather [hbm4b:s3+s2], $0x8000, $0x38;
	[tilespmem:$0x18000] =	vst v63  }
0xb: {  	_ =	swait.ge [sflag:s7], $0x8000  }
0xc: {  	[sflag:s7] =	ssyncset.done $0x0  }
0xd: {  	s13 =	simm.s32 $0x20;
	[sflag:s7] =	ssyncadd.s32 $0xFFFF8000  }
0xe: {  	v7 =	vld [tilespmem:s13+$0x10]  }
0xf: {  	v6 =	vld [tilespmem:s13+$0x0]  }
0x10: {  	s11 =	simm.s32 $0x8020;
	s14 =	simm.s32 $0x1;
	s12 =	simm.s32 $0x0;
	v8 =	vld [tilespmem:s13+$0xFFFFFFF0]  }
.LBB2_2:
0x11: {  	p0 =	sne.s32 s14, $0xFF;
	v9 =	vld [tilespmem:s13+$0xFFFFFFE0];
	[tilespmem:s11+$0xFFFFFFF0] =	vst v5;
	_ =	sdelay $0x2  }
0x12: {  	(xrf1) =	vsort.dscd.msk.f32 $0xffff, v7, v3  }
0x13: {  	(xrf1) =	vsort.dscd.msk.f32 $0xffff, v8, v1  }
0x14: {  	(xrf1) =	vsort.dscd.msk.f32 $0xffff, v6, v2  }
0x15: {  	(xrf1) =	vsort.dscd.msk.f32 $0xffff, v9, v0;
	_ =	sdelay $0xa  }
0x16: {  	v6, v7, _ =	vpop (xrf1)  }
0x17: {  	v6 =	vperm.xlane v6, v4;
	v7 =	vperm.xlane v7, v4;
	v8, v9, _ =	vpop (xrf1)  }
0x18: {  	v8 =	vperm.xlane v8, v4;
	v10, v11, _ =	vpop (xrf1)  }
0x19: {  	v9 =	vperm.xlane v9, v4;
	v6 =	vsel vm0, v10, v6;
	v7 =	vsel vm0, v11, v7;
	v10, v11, _ =	vpop (xrf1)  }
0x1a: {  	(xrf1) =	vsort.dscd.msk.f32 $0xffff, v6, v7  }
0x1b: {  	v6 =	vsel vm0, v10, v8;
	v7 =	vsel vm0, v11, v9  }
0x1c: {  	(xrf1) =	vsort.dscd.msk.f32 $0xffff, v6, v7;
	_ =	sdelay $0xb  }
0x1d: {  	v6, v7, _ =	vpop (xrf1)  }
0x1e: {  	v6 =	vperm.xlane v6, v4;
	v7 =	vperm.xlane v7, v4  }
0x1f: {  	v8, v9, _ =	vpop (xrf1)  }
0x20: {  	v6 =	vsel vm0, v8, v6;
	v7 =	vsel vm0, v9, v7  }
0x21: {  	(xrf1) =	vsort.dscd.msk.f32 $0xffff, v6, v7;
	_ =	sdelay $0xd  }
0x22: {  	v6, v7, _ =	vpop (xrf1)  }
0x23: {  	v8 =	vand.u32 $0xFFFFFF80, v7;
	v9 =	vand.u32 $0x7F, v7;
	(xrf0) =	vmax.scan.msk.f32 $0xffff, v6;
	_ =	sdelay $0x5  }
0x24: {  	v10, _, _ =	vpop (xrf0)  }
0x25: {  	v10 =	vbroadcast v10, $0xF;
	_ =	sdelay $0x1  }
0x26: {  	v6 =	vsub.f32 v6, v10;
	_ =	sdelay $0x1  }
0x27: {  	v6 =	vmul.f32 $1.442695020e+00, v6;
	_ =	sdelay $0x1  }
0x28: {  	(erf) = vpow2.f32 v6;
	_ =	sdelay $0x8  }
0x29: {  	v6 =	vpop (erf)  }
0x2a: {  	v10 =	vnsel vm0, $0x0, v6  }
0x2b: {  	(xrf2) =	vadd.scan.msk.f32 $0xffff, v10;
	_ =	sdelay $0x9  }
0x2c: {  	v10, _, _ =	vpop (xrf2)  }
0x2d: {  	v10 =	vbroadcast v10, $0xF;
	_ =	sdelay $0x1  }
0x2e: {  	(erf) = vrcp.f32 v10;
	_ =	sdelay $0x4  }
0x2f: {  	s15 =	sshll.u32 s12, $0x7;
	s12 =	smov.u32 s14  }
0x30: {  	v8 =	vadd.s32 s15, v8  }
0x31: {  	v8 =	vor.u32 v9, v8  }
0x32: {  	v9 =	vor.u32 s15, v0  }
0x33: {  	[tilespmem:s11+$0xFFFFFFE0] =	vst v5;
	v10 =	vpop (erf)  }
0x34: {  	v6 =	vmul.f32 v10, v6;
	[tilespmem:s11+$0x0] =	vst v5  }
0x35: {  	[tilespmem:s11+$0x10] =	vst v5  }
.Ltmp0:
0x36: {  	[tilespmem:v8+s8+$0x0] =	vst.idx.msk $0xff, v6;
	(pc) =	sbr.rel @p0 .LBB2_2-.Ltmp0, $4  }
0x37: {  	s13 =	sadd.s32 $0x80, s13;
	[tilespmem:v9+s9+$0x0] =	vst.idx.msk $0xff, v7  }
0x38: {  	v7 =	vld [tilespmem:s13+$0x10]  }
0x39: {  	v6 =	vld [tilespmem:s13+$0x0]  }
0x3a: {  	s14 =	sadd.s32 $0x1, s14;
	s11 =	sadd.s32 $0x80, s11;
	v8 =	vld [tilespmem:s13+$0xFFFFFFF0]  }
0x3b: {  	_ =	sdelay $0x1  }
0x3c: {  	v9 =	vld [tilespmem:s13+$0xFFFFFFE0]  }
0x3d: {  	(xrf1) =	vsort.dscd.msk.f32 $0xffff, v7, v3  }
0x3e: {  	(xrf1) =	vsort.dscd.msk.f32 $0xffff, v8, v1  }
0x3f: {  	(xrf1) =	vsort.dscd.msk.f32 $0xffff, v6, v2;
	_ =	sdelay $0x1  }
0x40: {  	(xrf1) =	vsort.dscd.msk.f32 $0xffff, v9, v0;
	_ =	sdelay $0x9  }
0x41: {  	v6, v7, _ =	vpop (xrf1)  }
0x42: {  	v6 =	vperm.xlane v6, v4;
	v7 =	vperm.xlane v7, v4;
	v8, v53, _ =	vpop (xrf1)  }
0x43: {  	v8 =	vperm.xlane v8, v4;
	v10, v11, _ =	vpop (xrf1)  }
0x44: {  	v9 =	vperm.xlane v53, v4;
	v6 =	vsel vm0, v10, v6;
	v7 =	vsel vm0, v11, v7  }
0x45: {  	v54, v55, _ =	vpop (xrf1);
	(xrf1) =	vsort.dscd.msk.f32 $0xffff, v6, v7  }
0x46: {  	v6 =	vsel vm0, v54, v8;
	v7 =	vsel vm0, v55, v9  }
0x47: {  	(xrf1) =	vsort.dscd.msk.f32 $0xffff, v6, v7;
	_ =	sdelay $0xb  }
0x48: {  	v6, v7, _ =	vpop (xrf1)  }
0x49: {  	v6 =	vperm.xlane v6, v4;
	v7 =	vperm.xlane v7, v4  }
0x4a: {  	v56, v57, _ =	vpop (xrf1)  }
0x4b: {  	v6 =	vsel vm0, v56, v6;
	v7 =	vsel vm0, v57, v7  }
0x4c: {  	(xrf1) =	vsort.dscd.msk.f32 $0xffff, v6, v7;
	_ =	sdelay $0xd  }
0x4d: {  	v6, v7, _ =	vpop (xrf1)  }
0x4e: {  	(xrf0) =	vmax.scan.msk.f32 $0xffff, v6;
	_ =	sdelay $0x5  }
0x4f: {  	v58, _, _ =	vpop (xrf0)  }
0x50: {  	v8 =	vbroadcast v58, $0xF;
	_ =	sdelay $0x1  }
0x51: {  	v6 =	vsub.f32 v6, v8;
	_ =	sdelay $0x1  }
0x52: {  	v6 =	vmul.f32 $1.442695020e+00, v6;
	_ =	sdelay $0x1  }
0x53: {  	(erf) = vpow2.f32 v6;
	_ =	sdelay $0x8  }
0x54: {  	v6 =	vpop (erf)  }
0x55: {  	v59 =	vnsel vm0, $0x0, v6  }
0x56: {  	(xrf2) =	vadd.scan.msk.f32 $0xffff, v59;
	_ =	sdelay $0x9  }
0x57: {  	v8, _, _ =	vpop (xrf2)  }
0x58: {  	v8 =	vbroadcast v8, $0xF;
	_ =	sdelay $0x1  }
0x59: {  	(erf) = vrcp.f32 v8;
	_ =	sdelay $0x4  }
0x5a: {  	s12 =	sshll.u32 s12, $0x7;
	v60 =	vand.u32 $0xFFFFFF80, v7  }
0x5b: {  	v61 =	vand.u32 $0x7F, v7;
	v8 =	vadd.s32 s12, v60  }
0x5c: {  	v8 =	vor.u32 v61, v8  }
0x5d: {  	[tilespmem:s11+$0xFFFFFFF0] =	vst v5;
	v62 =	vor.u32 s12, v0  }
0x5e: {  	[tilespmem:s11+$0xFFFFFFE0] =	vst v5;
	v63 =	vpop (erf)  }
0x5f: {  	[tilespmem:s11+$0x0] =	vst v5;
	v6 =	vmul.f32 v63, v6  }
0x60: {  	[tilespmem:s11+$0x10] =	vst v5  }
0x61: {  	[tilespmem:v8+s8+$0x0] =	vst.idx.msk $0xff, v6  }
0x62: {  	[tilespmem:v62+s9+$0x0] =	vst.idx.msk $0xff, v7  }
0x63: {  	[hbm4b:s4+s2] =	stream.linear.scatter [tilespmem:s8], [sflag:$0x1], $0x8000, $0x38;
	[tilespmem:$0x18000] =	vst v63  }
0x64: {  	s10 =	sadd.s32 $0x1, s10;
	_ =	swait.ge [sflag:s7], $0x8000  }
0x65: {  	p0 =	sne.s32 s10, s6;
	[sflag:s7] =	ssyncset.done $0x0  }
.Ltmp1:
0x66: {  	[sflag:s7] =	ssyncadd.s32 $0xFFFF8000;
	(pc) =	sbr.rel @p0 .LBB2_1-.Ltmp1, $4  }
0x67: {  	[hbm4b:s5+s2] =	stream.linear.scatter [tilespmem:s9], [sflag:$0x1], $0x8000, $0x38;
	[tilespmem:$0x18000] =	vst v63  }
0x68: {  	_ =	swait.ge [sflag:s7], $0x8000  }
0x69: {  	[sflag:s7] =	ssyncset.done $0x0  }
0x6a: {  	[sflag:s7] =	ssyncadd.s32 $0xFFFF8000  }
0x6b: {  	_ =	sfence.sel $0x180000  }
0x6c: {  	[bflag:$0x0] =	sbarrier.arrive $0xFFFF  }
0x6d: {  	p0 =	sne.s32 s1, $0x0;
	_ =	strace $0x9000004D  }
0x6e: {  	s0 =	sadd.s32 @!p0 $0x100000, s0;
	[bflag:$0x2] =	sbarrier.arrive $0xFFFF  }
0x6f: {  	[sflag:s0] =	ssyncadd.tile.s32 @!p0 $0x1;
	_ =	shalt  }
.Lfunc_end2:
_tile_overlayer_lowered:
.L_overlay_start_2:
0x70: {  	(tag) =	ssettag $0x2  }
0x71: {  	s0 =	rddreg [dreg:$0x0];
	s2 =	stileid.u32  }
0x72: {  	s1 =	rddreg [dreg:$0x1];
	p0 =	sne.s32 s2, $0x0  }
0x73: {  	s3 =	rddreg [dreg:$0x2];
	[bflag:$0x3] =	sbarrier.arrive $0xFFFF;
	s2 =	simm.s32 @!p0 $0x1C01  }
0x74: {  	[timem:s3], [sflag:s2] =	dma.local @!p0 [hbm:s0], s1  }
0x75: {  	s0 =	simm.s32 @!p0 $0x1  }
0x76: {  	_ =	swait.ge @!p0 [sflag:s0], s1  }
0x77: {  	s1 =	ssub.s32 @!p0 $0x0, s1;
	[sflag:s0] =	ssyncset.done @!p0 $0x0  }
0x78: {  	[sflag:s0] =	ssyncadd.s32 @!p0 s1  }
0x79: {  	[bflag:$0x3] =	sbarrier.arrive $0xFFFF  }
0x7a: {  	_ =	shalt  }

</sc_bundles>
